<compile_context>
chip_gen: v7x
topology: tpu7x:2x2x1
jax: 0.10.2.dev20260603
libtpu: 0.0.44.dev20260713+nightly
codegen_flags: <defaults>
</compile_context>

<pallas_src>
import jax
import jax.numpy as jnp
from jax import lax
from jax.experimental import pallas as pl
from jax.experimental.pallas import tpu as pltpu
from jax.experimental.pallas import tpu_sc as plsc

_IN = 128
_BATCH = 1024
_NL = 5
_NLP = 8
_SHORT = 1000
_CUT = [1000, 10000, 40000, 100000]
_CS = [9000, 30000, 60000]
_HSZ = [64, 32, 16]
_HOFF = [0, 64, 96, 112]
_TILE = 1000
_TOFF = [0, 9, 39, 99]
_COFF = [0, 9000, 39000]
_NT = 99
_W2W = 128

_LOG2E = 1.4426950408889634
_LN2 = 0.6931471805599453


def _prep_body(x_ref, hw_ref, w1_ref, gb_ref, targ_ref,
               hall_ref, stats_ref, tdx_ref):
    x = x_ref[...]
    targ = targ_ref[:, 0:_NL]
    ho = lax.dot_general(x, hw_ref[...], (((1,), (1,)), ((), ())),
                         preferred_element_type=jnp.float32)
    hraw = lax.dot_general(x, w1_ref[...], (((1,), (1,)), ((), ())),
                           preferred_element_type=jnp.float32)
    g = gb_ref[0:1, :]
    b = gb_ref[1:2, :]
    for ci in range(3):
        lo, hi = _HOFF[ci], _HOFF[ci + 1]
        hseg = hraw[:, lo:hi]
        mu = jnp.mean(hseg, axis=1, keepdims=True)
        var = jnp.mean((hseg - mu) ** 2, axis=1, keepdims=True)
        hn = (hseg - mu) / jnp.sqrt(var + 1e-5) * g[:, lo:hi] + b[:, lo:hi]
        hall_ref[:, lo:hi] = jnp.maximum(hn, 0.0) * (-_LOG2E)
    hall_ref[:, _HOFF[3]:_IN] = jnp.zeros((_BATCH, _IN - _HOFF[3]), jnp.float32)

    colid = lax.broadcasted_iota(jnp.int32, (_BATCH, 1024), 1)
    mh = jnp.zeros((_BATCH, 1024), jnp.bool_)
    for k in range(_NL):
        mh = mh | (targ[:, k:k + 1] == colid)
    mh = mh & (colid < _SHORT)
    sp = jnp.maximum(ho, 0.0) + jnp.log1p(jnp.exp(-jnp.abs(ho)))
    maskH = (colid < _SHORT).astype(jnp.float32)
    head_loss = jnp.sum(sp * maskH, axis=1, keepdims=True) \
        - jnp.sum(jnp.where(mh, ho, 0.0), axis=1, keepdims=True)

    num = jnp.full((_BATCH, 1), float(_SHORT), jnp.float32)
    for ci in range(3):
        lo, hi = _CUT[ci], _CUT[ci + 1]
        rm = jnp.zeros((_BATCH, 1), jnp.bool_)
        for k in range(_NL):
            tk = targ[:, k:k + 1]
            rm = rm | ((tk >= lo) & (tk < hi))
        rmf = rm.astype(jnp.float32)
        logit = ho[:, _SHORT + ci:_SHORT + ci + 1]
        sp_r = jnp.maximum(logit, 0.0) + jnp.log1p(jnp.exp(-jnp.abs(logit)))
        head_loss = head_loss + (1.0 - rmf) * sp_r
        num = num + jnp.where(rm, float(_CS[ci]), 1.0)
        stats_ref[:, 2 + ci:3 + ci] = rmf
        stats_ref[:, 5 + ci:6 + ci] = jax.nn.sigmoid(
            ho[:, _SHORT + ci:_SHORT + ci + 1])
    stats_ref[:, 0:1] = head_loss
    stats_ref[:, 1:2] = num

    tdx_ref[...] = jnp.zeros((_BATCH, 128), jnp.int32)
    for k in range(_NL):
        tk = targ[:, k:k + 1]
        dup = jnp.zeros((_BATCH, 1), jnp.bool_)
        for j in range(k):
            dup = dup | (targ[:, j:j + 1] == tk)
        tcol = jnp.where(dup, -1, tk - _SHORT)
        stats_ref[:, 16 + k:17 + k] = tcol.astype(jnp.float32)
        tdx_ref[:, k:k + 1] = jnp.maximum(tcol, 0)


def _dense_body(hall_ref, stats_ref, w20_ref, w21_ref, w22_ref,
                tails_ref, acc0, acc1, acc2):
    i = pl.program_id(0)
    accs = [acc0, acc1, acc2]

    @pl.when(i == 0)
    def _init():
        for acc in accs:
            acc[...] = jnp.zeros((_BATCH, 128), jnp.float32)

    def tile(ci, w2_ref, acc):
        lo, hi = _HOFF[ci], _HOFF[ci + 1]
        zn = lax.dot_general(hall_ref[:, lo:hi], w2_ref[...],
                             (((1,), (1,)), ((), ())),
                             preferred_element_type=jnp.float32)
        r = stats_ref[:, 5 + ci:6 + ci]
        d = 1.0 + jnp.exp2(jnp.minimum(zn, 126.0))
        contrib = jnp.minimum(jnp.log2(d) - jnp.log2(d - r), 100.0 / _LN2)
        csum = contrib[:, 0:128]
        for c in range(1, 7):
            csum = csum + contrib[:, 128 * c:128 * (c + 1)]
        acc[:, 0:128] += csum
        acc[:, 0:_TILE - 896] += contrib[:, 896:_TILE]

    @pl.when(i < _TOFF[1])
    def _t0():
        tile(0, w20_ref, acc0)

    @pl.when((i >= _TOFF[1]) & (i < _TOFF[2]))
    def _t1():
        tile(1, w21_ref, acc1)

    @pl.when(i >= _TOFF[2])
    def _t2():
        tile(2, w22_ref, acc2)

    @pl.when(i == _NT - 1)
    def _fin():
        for ci in range(3):
            tails_ref[:, ci:ci + 1] = jnp.sum(accs[ci][...], axis=1,
                                              keepdims=True) * _LN2


_NC, _NS, _L = 2, 16, 16
_NW = _NC * _NS
_RPW = _BATCH // _NW
_PPW = _RPW * _NLP
_NGRP = _PPW // _L


def _sc_body(tdx2_hbm, w2p_hbm, wg_hbm, idx_v0, idx_v1, w2a, w2b, sem):
    wid = lax.axis_index("s") * _NC + lax.axis_index("c")
    pltpu.sync_copy(tdx2_hbm.at[pl.ds(wid * _PPW, 128)], idx_v0)
    pltpu.sync_copy(tdx2_hbm.at[pl.ds(wid * _PPW + 128, 128)], idx_v1)
    cp0 = pltpu.async_copy(w2p_hbm.at[idx_v0], w2a, sem)
    cp1 = pltpu.async_copy(w2p_hbm.at[idx_v1], w2b, sem)
    cp0.wait()
    cp1.wait()
    pltpu.sync_copy(w2a, wg_hbm.at[pl.ds(wid * _PPW, 128)])
    pltpu.sync_copy(w2b, wg_hbm.at[pl.ds(wid * _PPW + 128, 128)])


def _combine_body(stats_ref, tails_ref, hall_ref, wg0_ref, wg1_ref, wg2_ref,
                  wg3_ref, wg4_ref, out_ref):
    tcol = stats_ref[:, 16:16 + _NL]
    valid = tcol >= 0.0
    total = jnp.zeros((_BATCH, 1), jnp.float32)
    rsig = [stats_ref[:, 5 + ci:6 + ci] for ci in range(3)]
    for ci in range(3):
        rm = stats_ref[:, 2 + ci:3 + ci]
        total = total + rm * tails_ref[:, ci:ci + 1]
    rpair = jnp.where(tcol >= float(_COFF[2]), rsig[2],
                      jnp.where(tcol >= float(_COFF[1]), rsig[1], rsig[0]))
    h = hall_ref[...]
    znt = jnp.concatenate(
        [jnp.sum(wg_ref[...] * h, axis=1, keepdims=True)
         for wg_ref in (wg0_ref, wg1_ref, wg2_ref, wg3_ref, wg4_ref)],
        axis=1)
    et = jnp.exp2(jnp.minimum(znt, 126.0))
    pt = rpair / (1.0 + et)
    corr = jnp.minimum(jnp.log2(pt) * (-_LN2), 100.0) \
        - jnp.minimum(jnp.log2(1.0 - pt) * (-_LN2), 100.0)
    total = total + jnp.sum(jnp.where(valid, corr, 0.0), axis=1, keepdims=True)
    per_row = (stats_ref[:, 0:1] + total) / stats_ref[:, 1:2]
    out_ref[...] = jnp.full((8, 128), jnp.sum(per_row) / _BATCH, jnp.float32)


def kernel(input, target, head_W, w1_0, g_0, b_0, w2_0, w1_1, g_1, b_1, w2_1,
           w1_2, g_2, b_2, w2_2):
    f32 = jnp.float32
    hw_pad = jnp.zeros((1024, _IN), f32).at[:head_W.shape[0]].set(head_W)
    w1cat = jnp.zeros((_IN, _IN), f32)
    w1cat = w1cat.at[_HOFF[0]:_HOFF[1]].set(w1_0)
    w1cat = w1cat.at[_HOFF[1]:_HOFF[2]].set(w1_1)
    w1cat = w1cat.at[_HOFF[2]:_HOFF[3]].set(w1_2)
    gb = jnp.zeros((8, _IN), f32)
    gb = gb.at[0, _HOFF[0]:_HOFF[1]].set(g_0).at[1, _HOFF[0]:_HOFF[1]].set(b_0)
    gb = gb.at[0, _HOFF[1]:_HOFF[2]].set(g_1).at[1, _HOFF[1]:_HOFF[2]].set(b_1)
    gb = gb.at[0, _HOFF[2]:_HOFF[3]].set(g_2).at[1, _HOFF[2]:_HOFF[3]].set(b_2)
    targ_pad = jnp.full((_BATCH, 128), -1, jnp.int32).at[:, :_NL].set(target)
    w2pack = jnp.concatenate([
        jnp.pad(w2_0, ((0, 0), (_HOFF[0], _W2W - _HOFF[1]))),
        jnp.pad(w2_1, ((0, 0), (_HOFF[1], _W2W - _HOFF[2]))),
        jnp.pad(w2_2, ((0, 0), (_HOFF[2], _W2W - _HOFF[3]))),
    ], axis=0)

    const = lambda i: (0, 0)

    hall, stats, tdx = pl.pallas_call(
        _prep_body,
        in_specs=[pl.BlockSpec((_BATCH, _IN), None),
                  pl.BlockSpec((1024, _IN), None),
                  pl.BlockSpec((_IN, _IN), None),
                  pl.BlockSpec((8, _IN), None),
                  pl.BlockSpec((_BATCH, 128), None)],
        out_specs=[pl.BlockSpec((_BATCH, _IN), None),
                   pl.BlockSpec((_BATCH, 128), None),
                   pl.BlockSpec((_BATCH, 128), None)],
        out_shape=[jax.ShapeDtypeStruct((_BATCH, _IN), f32),
                   jax.ShapeDtypeStruct((_BATCH, 128), f32),
                   jax.ShapeDtypeStruct((_BATCH, 128), jnp.int32)],
    )(input, hw_pad, w1cat, gb, targ_pad)

    tails = pl.pallas_call(
        _dense_body,
        grid=(_NT,),
        in_specs=[
            pl.BlockSpec((_BATCH, _IN), const),
            pl.BlockSpec((_BATCH, 128), const),
            pl.BlockSpec((_TILE, _HSZ[0]), lambda i: (jnp.clip(i, 0, 8), 0)),
            pl.BlockSpec((_TILE, _HSZ[1]),
                         lambda i: (jnp.clip(i - _TOFF[1], 0, 29), 0)),
            pl.BlockSpec((_TILE, _HSZ[2]),
                         lambda i: (jnp.clip(i - _TOFF[2], 0, 59), 0)),
        ],
        out_specs=pl.BlockSpec((_BATCH, 128), const),
        out_shape=jax.ShapeDtypeStruct((_BATCH, 128), f32),
        scratch_shapes=[pltpu.VMEM((_BATCH, 128), f32)] * 3,
    )(hall, stats, w2_0, w2_1, w2_2)

    tdx2 = tdx[:, 0:_NLP].reshape(-1)
    wg = pl.kernel(
        _sc_body,
        out_type=jax.ShapeDtypeStruct((_BATCH * _NLP, _W2W), f32),
        mesh=plsc.VectorSubcoreMesh(core_axis_name="c", subcore_axis_name="s"),
        scratch_types=[
            pltpu.VMEM((128,), jnp.int32),
            pltpu.VMEM((128,), jnp.int32),
            pltpu.VMEM((128, _W2W), f32),
            pltpu.VMEM((128, _W2W), f32),
            pltpu.SemaphoreType.DMA,
        ],
    )(tdx2, w2pack)
    wgr = wg.reshape(_BATCH, _NLP, _W2W)
    wgs = [wgr[:, k, :] for k in range(_NL)]

    out = pl.pallas_call(
        _combine_body,
        in_specs=[pl.BlockSpec((_BATCH, 128), None)] * (3 + _NL),
        out_specs=pl.BlockSpec((8, 128), None),
        out_shape=jax.ShapeDtypeStruct((8, 128), f32),
    )(stats, tails, hall, *wgs)
    return out[0, 0]

# --- scband reference (transcript-rebuilt; emitter-appended) ---
"""Pipeline reference for scband-adaptive-bcewith-logits-loss-72885595013388 (READ-ONLY COPY).

The authoritative reference and input builder live on the scoring server;
editing this copy changes nothing except your own understanding.
"""

import jax, jax.numpy as jnp
import numpy as np

IN_FEATURES = 128
N_CLASSES = 100000
CUTOFFS = [1000, 10000, 40000, 100000]
DIV_VALUE = 2.0
SHORTLIST = CUTOFFS[0]
N_CLUSTERS = len(CUTOFFS) - 1
HEAD_SIZE = SHORTLIST + N_CLUSTERS
CLUSTER_SIZES = [CUTOFFS[i + 1] - CUTOFFS[i] for i in range(N_CLUSTERS)]
HSZ = [int(IN_FEATURES // DIV_VALUE ** (i + 1)) for i in range(N_CLUSTERS)]
BATCH = 1024
N_LABELS = 5


def setup_inputs(seed: int = 0):
    key = jax.random.key(seed)
    ks = jax.random.split(key, 3 + 4 * N_CLUSTERS)
    inp = {}
    inp["input"] = jax.random.normal(ks[0], (BATCH, IN_FEATURES), dtype=jnp.float32)
    inp["target"] = jax.random.randint(ks[1], (BATCH, N_LABELS), 0, N_CLASSES, dtype=jnp.int32)
    inp["head_W"] = jax.random.normal(ks[2], (HEAD_SIZE, IN_FEATURES), dtype=jnp.float32) * 0.05
    k = 3
    for i in range(N_CLUSTERS):
        inp["w1_%d" % i] = jax.random.normal(ks[k], (HSZ[i], IN_FEATURES), dtype=jnp.float32) * 0.05; k += 1
        inp["g_%d" % i] = jnp.ones((HSZ[i],), dtype=jnp.float32); k += 1
        inp["b_%d" % i] = jnp.zeros((HSZ[i],), dtype=jnp.float32); k += 1
        inp["w2_%d" % i] = jax.random.normal(ks[k], (CLUSTER_SIZES[i], HSZ[i]), dtype=jnp.float32) * 0.05; k += 1
    return inp


def _clamp_log(x):
    # torch BCELoss clamps log terms at -100
    return jnp.clip(jnp.log(x), -100.0, None)


def _precompute(target):
    cutoff_values = [0] + CUTOFFS
    batch = target.shape[0]
    bidx = jnp.arange(batch)[:, None]
    clusters = []
    for i in range(len(cutoff_values) - 1):
        low = cutoff_values[i]
        high = cutoff_values[i + 1]
        num_idx = high - low
        mask = (target >= low) & (target < high)
        row_mask = jnp.any(mask, axis=1).astype(jnp.float32)
        rel = jnp.where(mask, target - low, 0)
        onehot = jnp.zeros((batch, num_idx), dtype=jnp.float32).at[bidx, rel].max(
            mask.astype(jnp.float32)
        )
        clusters.append((row_mask, onehot))
    return clusters


def _forward(x, head_W, tail, clusters):
    batch = x.shape[0]
    total_cluster_loss = jnp.zeros((batch,), dtype=jnp.float32)
    head_onehot = jnp.zeros((batch, SHORTLIST), dtype=jnp.float32)
    cluster_onehot = jnp.zeros((batch, N_CLUSTERS), dtype=jnp.float32)
    head_output = x @ head_W.T
    for i, (row_mask, onehot) in enumerate(clusters):
        if i == 0:
            head_onehot = onehot
        else:
            root = jax.nn.sigmoid(head_output[:, SHORTLIST + i - 1])
            w1, g, b, w2 = tail[i - 1]
            h = x @ w1.T
            mu = h.mean(axis=-1, keepdims=True)
            var = ((h - mu) ** 2).mean(axis=-1, keepdims=True)
            h = (h - mu) / jnp.sqrt(var + 1e-5) * g + b
            h = jax.nn.relu(h)
            p = root[:, None] * jax.nn.sigmoid(h @ w2.T)
            cluster_onehot = cluster_onehot.at[:, i - 1].set(row_mask)
            loss = -(onehot * _clamp_log(p) + (1.0 - onehot) * _clamp_log(1.0 - p))
            loss = jnp.sum(loss, axis=1)
            total_cluster_loss = total_cluster_loss + loss * row_mask
    y = jnp.concatenate([head_onehot, cluster_onehot], axis=1)
    hl = jnp.maximum(head_output, 0.0) - head_output * y + jnp.log1p(jnp.exp(-jnp.abs(head_output)))
    mult0 = (cluster_onehot == 0).astype(jnp.float32)
    root_loss = hl[:, SHORTLIST:] * mult0
    hl = jnp.concatenate([hl[:, :SHORTLIST], root_loss], axis=1)
    head_loss = jnp.sum(hl, axis=1)
    multiplier = mult0 + cluster_onehot * jnp.asarray(CLUSTER_SIZES, dtype=jnp.float32)
    num_loss = jnp.sum(multiplier, axis=1) + SHORTLIST
    return jnp.mean((head_loss + total_cluster_loss) / num_loss)


def reference(input, target, head_W, w1_0, g_0, b_0, w2_0, w1_1, g_1, b_1, w2_1, w1_2, g_2, b_2, w2_2):
    clusters = _precompute(target)
    tail = [(w1_0, g_0, b_0, w2_0), (w1_1, g_1, b_1, w2_1), (w1_2, g_2, b_2, w2_2)]
    return _forward(input, head_W, tail, clusters)

if __name__ == "__main__":
    import jax
    _d = setup_inputs()
    print(jax.jit(kernel)(*tuple(_d.values())))

</pallas_src>

<mosaic_0001>
#map = affine_map<(d0, d1) -> (0)>
#map1 = affine_map<(d0, d1) -> (0, 0)>
module attributes {stable_mosaic.version = 14 : i64} {
  func.func @_sc_body(%arg0: i32, %arg1: i32, %arg2: memref<8192xi32, #tpu.memory_space<hbm>>, %arg3: memref<99000x128xf32, #tpu.memory_space<hbm>>, %arg4: memref<8192x128xf32, #tpu.memory_space<hbm>>, %arg5: memref<128xi32, #tpu.memory_space<vmem>>, %arg6: memref<128xi32, #tpu.memory_space<vmem>>, %arg7: memref<128x128xf32, #tpu.memory_space<vmem>>, %arg8: memref<128x128xf32, #tpu.memory_space<vmem>>, %arg9: memref<!tpu.dma_semaphore, #tpu.memory_space<semaphore_mem>>) attributes {dimension_semantics = [#tpu.dimension_semantics<core_parallel>, #tpu.dimension_semantics<subcore_parallel>], iteration_bounds = array<i64: 2, 16>, scalar_prefetch = 0 : i64, scratch_operands = 5 : i64, tpu.core_type = #tpu.core_type<sc_vector_subcore>, window_params = [{transform_indices = #map}, {transform_indices = #map1}, {transform_indices = #map1}]} {
    %mul3A = arith.constant 2 : i32
    %mul3A_0 = arith.muli %arg1, %mul3A : i32
    %add3A = arith.addi %mul3A_0, %arg0 : i32
    %mul3A_1 = arith.constant 256 : i32
    %mul3A_2 = arith.muli %add3A, %mul3A_1 : i32
    "tpu.region"() ({
      %run_scoped3A = tpu.sem_alloc : memref<!tpu.dma_semaphore, #tpu.memory_space<semaphore_mem>>
      %dma_start3A_23 = tpu.memref_slice %arg2[%mul3A_2] : memref<8192xi32, #tpu.memory_space<hbm>> -> memref<128xi32, #tpu.memory_space<hbm>>
      %dma_start3A_24 = tpu.memref_slice %arg2[%mul3A_2] : memref<8192xi32, #tpu.memory_space<hbm>> -> memref<128xi32, #tpu.memory_space<hbm>>
      tpu.enqueue_dma source(%dma_start3A_24 : memref<128xi32, #tpu.memory_space<hbm>>) target(%arg5 : memref<128xi32, #tpu.memory_space<vmem>>) target_semaphore(%run_scoped3A : memref<!tpu.dma_semaphore, #tpu.memory_space<semaphore_mem>>)
      %dma_wait3A_25 = tpu.memref_slice %arg2[%mul3A_2] : memref<8192xi32, #tpu.memory_space<hbm>> -> memref<128xi32, #tpu.memory_space<hbm>>
      %dma_wait3A_26 = tpu.memref_slice %arg2[%mul3A_2] : memref<8192xi32, #tpu.memory_space<hbm>> -> memref<128xi32, #tpu.memory_space<hbm>>
      tpu.wait_dma2 semaphore(%run_scoped3A : memref<!tpu.dma_semaphore, #tpu.memory_space<semaphore_mem>>) src(%dma_wait3A_26 : memref<128xi32, #tpu.memory_space<hbm>>) dst(%arg5 : memref<128xi32, #tpu.memory_space<vmem>>)
      tpu.yield
    }) : () -> ()
    %mul3A_3 = arith.constant 256 : i32
    %mul3A_4 = arith.muli %add3A, %mul3A_3 : i32
    %add3A_5 = arith.constant 128 : i32
    %add3A_6 = arith.addi %mul3A_4, %add3A_5 : i32
    "tpu.region"() ({
      %run_scoped3A = tpu.sem_alloc : memref<!tpu.dma_semaphore, #tpu.memory_space<semaphore_mem>>
      %dma_start3A_23 = tpu.memref_slice %arg2[%add3A_6] : memref<8192xi32, #tpu.memory_space<hbm>> -> memref<128xi32, #tpu.memory_space<hbm>>
      %dma_start3A_24 = tpu.memref_slice %arg2[%add3A_6] : memref<8192xi32, #tpu.memory_space<hbm>> -> memref<128xi32, #tpu.memory_space<hbm>>
      tpu.enqueue_dma source(%dma_start3A_24 : memref<128xi32, #tpu.memory_space<hbm>>) target(%arg6 : memref<128xi32, #tpu.memory_space<vmem>>) target_semaphore(%run_scoped3A : memref<!tpu.dma_semaphore, #tpu.memory_space<semaphore_mem>>)
      %dma_wait3A_25 = tpu.memref_slice %arg2[%add3A_6] : memref<8192xi32, #tpu.memory_space<hbm>> -> memref<128xi32, #tpu.memory_space<hbm>>
      %dma_wait3A_26 = tpu.memref_slice %arg2[%add3A_6] : memref<8192xi32, #tpu.memory_space<hbm>> -> memref<128xi32, #tpu.memory_space<hbm>>
      tpu.wait_dma2 semaphore(%run_scoped3A : memref<!tpu.dma_semaphore, #tpu.memory_space<semaphore_mem>>) src(%dma_wait3A_26 : memref<128xi32, #tpu.memory_space<hbm>>) dst(%arg6 : memref<128xi32, #tpu.memory_space<vmem>>)
      tpu.yield
    }) : () -> ()
    %dma_start3A = arith.constant 0 : i32
    %dma_start3A_7 = arith.constant 0 : i32
    %dma_start3A_8 = tpu.memref_slice %arg3[%dma_start3A, %dma_start3A_7] : memref<99000x128xf32, #tpu.memory_space<hbm>> -> memref<99000x128xf32, #tpu.memory_space<hbm>>
    tpu.enqueue_indirect_dma source(%dma_start3A_8 : memref<99000x128xf32, #tpu.memory_space<hbm>>) target(%arg7 : memref<128x128xf32, #tpu.memory_space<vmem>>) offsets(%arg5 : memref<128xi32, #tpu.memory_space<vmem>>) semaphore(%arg9 : memref<!tpu.dma_semaphore, #tpu.memory_space<semaphore_mem>>)
    %dma_start3A_9 = arith.constant 0 : i32
    %dma_start3A_10 = arith.constant 0 : i32
    %dma_start3A_11 = tpu.memref_slice %arg3[%dma_start3A_9, %dma_start3A_10] : memref<99000x128xf32, #tpu.memory_space<hbm>> -> memref<99000x128xf32, #tpu.memory_space<hbm>>
    tpu.enqueue_indirect_dma source(%dma_start3A_11 : memref<99000x128xf32, #tpu.memory_space<hbm>>) target(%arg8 : memref<128x128xf32, #tpu.memory_space<vmem>>) offsets(%arg6 : memref<128xi32, #tpu.memory_space<vmem>>) semaphore(%arg9 : memref<!tpu.dma_semaphore, #tpu.memory_space<semaphore_mem>>)
    %dma_wait3A = arith.constant 0 : i32
    %dma_wait3A_12 = arith.constant 0 : i32
    %dma_wait3A_13 = tpu.memref_slice %arg3[%dma_wait3A, %dma_wait3A_12] : memref<99000x128xf32, #tpu.memory_space<hbm>> -> memref<99000x128xf32, #tpu.memory_space<hbm>>
    tpu.wait_indirect_dma semaphore(%arg9 : memref<!tpu.dma_semaphore, #tpu.memory_space<semaphore_mem>>) src(%dma_wait3A_13 : memref<99000x128xf32, #tpu.memory_space<hbm>>) dst(%arg7 : memref<128x128xf32, #tpu.memory_space<vmem>>)
    %dma_wait3A_14 = arith.constant 0 : i32
    %dma_wait3A_15 = arith.constant 0 : i32
    %dma_wait3A_16 = tpu.memref_slice %arg3[%dma_wait3A_14, %dma_wait3A_15] : memref<99000x128xf32, #tpu.memory_space<hbm>> -> memref<99000x128xf32, #tpu.memory_space<hbm>>
    tpu.wait_indirect_dma semaphore(%arg9 : memref<!tpu.dma_semaphore, #tpu.memory_space<semaphore_mem>>) src(%dma_wait3A_16 : memref<99000x128xf32, #tpu.memory_space<hbm>>) dst(%arg8 : memref<128x128xf32, #tpu.memory_space<vmem>>)
    %mul3A_17 = arith.constant 256 : i32
    %mul3A_18 = arith.muli %add3A, %mul3A_17 : i32
    "tpu.region"() ({
      %run_scoped3A = tpu.sem_alloc : memref<!tpu.dma_semaphore, #tpu.memory_space<semaphore_mem>>
      %dma_start3A_23 = arith.constant 0 : i32
      %dma_start3A_24 = tpu.memref_slice %arg4[%mul3A_18, %dma_start3A_23] : memref<8192x128xf32, #tpu.memory_space<hbm>> -> memref<128x128xf32, #tpu.memory_space<hbm>>
      %dma_start3A_25 = arith.constant 0 : i32
      %dma_start3A_26 = tpu.memref_slice %arg4[%mul3A_18, %dma_start3A_25] : memref<8192x128xf32, #tpu.memory_space<hbm>> -> memref<128x128xf32, #tpu.memory_space<hbm>>
      tpu.enqueue_dma source(%arg7 : memref<128x128xf32, #tpu.memory_space<vmem>>) target(%dma_start3A_26 : memref<128x128xf32, #tpu.memory_space<hbm>>) target_semaphore(%run_scoped3A : memref<!tpu.dma_semaphore, #tpu.memory_space<semaphore_mem>>)
      %dma_wait3A_27 = arith.constant 0 : i32
      %dma_wait3A_28 = tpu.memref_slice %arg4[%mul3A_18, %dma_wait3A_27] : memref<8192x128xf32, #tpu.memory_space<hbm>> -> memref<128x128xf32, #tpu.memory_space<hbm>>
      %dma_wait3A_29 = arith.constant 0 : i32
      %dma_wait3A_30 = tpu.memref_slice %arg4[%mul3A_18, %dma_wait3A_29] : memref<8192x128xf32, #tpu.memory_space<hbm>> -> memref<128x128xf32, #tpu.memory_space<hbm>>
      tpu.wait_dma2 semaphore(%run_scoped3A : memref<!tpu.dma_semaphore, #tpu.memory_space<semaphore_mem>>) src(%arg7 : memref<128x128xf32, #tpu.memory_space<vmem>>) dst(%dma_wait3A_30 : memref<128x128xf32, #tpu.memory_space<hbm>>)
      tpu.yield
    }) : () -> ()
    %mul3A_19 = arith.constant 256 : i32
    %mul3A_20 = arith.muli %add3A, %mul3A_19 : i32
    %add3A_21 = arith.constant 128 : i32
    %add3A_22 = arith.addi %mul3A_20, %add3A_21 : i32
    "tpu.region"() ({
      %run_scoped3A = tpu.sem_alloc : memref<!tpu.dma_semaphore, #tpu.memory_space<semaphore_mem>>
      %dma_start3A_23 = arith.constant 0 : i32
      %dma_start3A_24 = tpu.memref_slice %arg4[%add3A_22, %dma_start3A_23] : memref<8192x128xf32, #tpu.memory_space<hbm>> -> memref<128x128xf32, #tpu.memory_space<hbm>>
      %dma_start3A_25 = arith.constant 0 : i32
      %dma_start3A_26 = tpu.memref_slice %arg4[%add3A_22, %dma_start3A_25] : memref<8192x128xf32, #tpu.memory_space<hbm>> -> memref<128x128xf32, #tpu.memory_space<hbm>>
      tpu.enqueue_dma source(%arg8 : memref<128x128xf32, #tpu.memory_space<vmem>>) target(%dma_start3A_26 : memref<128x128xf32, #tpu.memory_space<hbm>>) target_semaphore(%run_scoped3A : memref<!tpu.dma_semaphore, #tpu.memory_space<semaphore_mem>>)
      %dma_wait3A_27 = arith.constant 0 : i32
      %dma_wait3A_28 = tpu.memref_slice %arg4[%add3A_22, %dma_wait3A_27] : memref<8192x128xf32, #tpu.memory_space<hbm>> -> memref<128x128xf32, #tpu.memory_space<hbm>>
      %dma_wait3A_29 = arith.constant 0 : i32
      %dma_wait3A_30 = tpu.memref_slice %arg4[%add3A_22, %dma_wait3A_29] : memref<8192x128xf32, #tpu.memory_space<hbm>> -> memref<128x128xf32, #tpu.memory_space<hbm>>
      tpu.wait_dma2 semaphore(%run_scoped3A : memref<!tpu.dma_semaphore, #tpu.memory_space<semaphore_mem>>) src(%arg8 : memref<128x128xf32, #tpu.memory_space<vmem>>) dst(%dma_wait3A_30 : memref<128x128xf32, #tpu.memory_space<hbm>>)
      tpu.yield
    }) : () -> ()
    return
  }
}

module attributes {stable_mosaic.version = 14 : i64} {
  func.func @_prep_body(%arg0: memref<1024x128xf32, #tpu.memory_space<vmem>>, %arg1: memref<1024x128xf32, #tpu.memory_space<vmem>>, %arg2: memref<128x128xf32, #tpu.memory_space<vmem>>, %arg3: memref<8x128xf32, #tpu.memory_space<vmem>>, %arg4: memref<1024x128xi32, #tpu.memory_space<vmem>>, %arg5: memref<1024x128xf32, #tpu.memory_space<vmem>>, %arg6: memref<1024x128xf32, #tpu.memory_space<vmem>>, %arg7: memref<1024x128xi32, #tpu.memory_space<vmem>>) attributes {dimension_semantics = [], scalar_prefetch = 0 : i64, scratch_operands = 0 : i64, tpu.core_type = #tpu.core_type<tc>} {
    %get3A = arith.constant 0 : index
    %get3A_0 = arith.constant 0 : index
    %get3A_1 = vector.load %arg0[%get3A, %get3A_0] : memref<1024x128xf32, #tpu.memory_space<vmem>>, vector<1024x128xf32>
    %get3A_2 = arith.constant 0 : index
    %get3A_3 = arith.constant 0 : index
    %get3A_4 = vector.load %arg4[%get3A_2, %get3A_3] : memref<1024x128xi32, #tpu.memory_space<vmem>>, vector<1024x5xi32>
    %get3A_5 = arith.constant 0 : index
    %get3A_6 = arith.constant 0 : index
    %get3A_7 = vector.load %arg1[%get3A_5, %get3A_6] : memref<1024x128xf32, #tpu.memory_space<vmem>>, vector<1024x128xf32>
    %dot_general3A = arith.constant dense<0.000000e+00> : vector<1024x1024xf32>
    %dot_general3A_8 = tpu.matmul %get3A_1, %get3A_7, %dot_general3A {dimension_numbers = #tpu.dot_dimension_numbers<[1], [1], [0], [0], [0, 0, 1, 0], [], []>, transpose_lhs_hint = false} : vector<1024x128xf32>, vector<1024x128xf32>, vector<1024x1024xf32> -> vector<1024x1024xf32>
    %get3A_9 = arith.constant 0 : index
    %get3A_10 = arith.constant 0 : index
    %get3A_11 = vector.load %arg2[%get3A_9, %get3A_10] : memref<128x128xf32, #tpu.memory_space<vmem>>, vector<128x128xf32>
    %dot_general3A_12 = arith.constant dense<0.000000e+00> : vector<1024x128xf32>
    %dot_general3A_13 = tpu.matmul %get3A_1, %get3A_11, %dot_general3A_12 {dimension_numbers = #tpu.dot_dimension_numbers<[1], [1], [0], [0], [0, 0, 1, 0], [], []>, transpose_lhs_hint = false} : vector<1024x128xf32>, vector<128x128xf32>, vector<1024x128xf32> -> vector<1024x128xf32>
    %get3A_14 = arith.constant 0 : index
    %get3A_15 = arith.constant 0 : index
    %get3A_16 = vector.load %arg3[%get3A_14, %get3A_15] : memref<8x128xf32, #tpu.memory_space<vmem>>, vector<1x128xf32>
    %get3A_17 = arith.constant 1 : index
    %get3A_18 = arith.constant 0 : index
    %get3A_19 = vector.load %arg3[%get3A_17, %get3A_18] : memref<8x128xf32, #tpu.memory_space<vmem>>, vector<1x128xf32>
    %slice3A = vector.extract_strided_slice %dot_general3A_13 {offsets = [0, 0], sizes = [1024, 64], strides = [1, 1]} : vector<1024x128xf32> to vector<1024x64xf32>
    %reduce_sum3A = arith.constant dense<0.000000e+00> : vector<1024xf32>
    %reduce_sum3A_20 = vector.multi_reduction <add>, %slice3A, %reduce_sum3A [1] : vector<1024x64xf32> to vector<1024xf32>
    %broadcast_in_dim3A = vector.shape_cast %reduce_sum3A_20 : vector<1024xf32> to vector<1024x1xf32>
    %div3A = arith.constant 6.400000e+01 : f32
    %div3A_21 = vector.broadcast %div3A : f32 to vector<1024x1xf32>
    %div3A_22 = arith.divf %broadcast_in_dim3A, %div3A_21 : vector<1024x1xf32>
    %sub3A = vector.broadcast %div3A_22 : vector<1024x1xf32> to vector<1024x64xf32>
    %sub3A_23 = arith.subf %slice3A, %sub3A : vector<1024x64xf32>
    %integer_pow3A = arith.mulf %sub3A_23, %sub3A_23 : vector<1024x64xf32>
    %reduce_sum3A_24 = arith.constant dense<0.000000e+00> : vector<1024xf32>
    %reduce_sum3A_25 = vector.multi_reduction <add>, %integer_pow3A, %reduce_sum3A_24 [1] : vector<1024x64xf32> to vector<1024xf32>
    %broadcast_in_dim3A_26 = vector.shape_cast %reduce_sum3A_25 : vector<1024xf32> to vector<1024x1xf32>
    %div3A_27 = arith.constant 6.400000e+01 : f32
    %div3A_28 = vector.broadcast %div3A_27 : f32 to vector<1024x1xf32>
    %div3A_29 = arith.divf %broadcast_in_dim3A_26, %div3A_28 : vector<1024x1xf32>
    %sub3A_30 = vector.broadcast %div3A_22 : vector<1024x1xf32> to vector<1024x64xf32>
    %sub3A_31 = arith.subf %slice3A, %sub3A_30 : vector<1024x64xf32>
    %add3A = arith.constant 9.99999974E-6 : f32
    %add3A_32 = vector.broadcast %add3A : f32 to vector<1024x1xf32>
    %add3A_33 = arith.addf %div3A_29, %add3A_32 : vector<1024x1xf32>
    %sqrt3A = math.sqrt %add3A_33 : vector<1024x1xf32>
    %div3A_34 = vector.broadcast %sqrt3A : vector<1024x1xf32> to vector<1024x64xf32>
    %div3A_35 = arith.divf %sub3A_31, %div3A_34 : vector<1024x64xf32>
    %slice3A_36 = vector.extract_strided_slice %get3A_16 {offsets = [0, 0], sizes = [1, 64], strides = [1, 1]} : vector<1x128xf32> to vector<1x64xf32>
    %mul3A = vector.broadcast %slice3A_36 : vector<1x64xf32> to vector<1024x64xf32>
    %mul3A_37 = arith.mulf %div3A_35, %mul3A : vector<1024x64xf32>
    %slice3A_38 = vector.extract_strided_slice %get3A_19 {offsets = [0, 0], sizes = [1, 64], strides = [1, 1]} : vector<1x128xf32> to vector<1x64xf32>
    %add3A_39 = vector.broadcast %slice3A_38 : vector<1x64xf32> to vector<1024x64xf32>
    %add3A_40 = arith.addf %mul3A_37, %add3A_39 : vector<1024x64xf32>
    %max3A = arith.constant 0.000000e+00 : f32
    %max3A_41 = vector.broadcast %max3A : f32 to vector<1024x64xf32>
    %max3A_42 = arith.maximumf %add3A_40, %max3A_41 : vector<1024x64xf32>
    %mul3A_43 = arith.constant -1.44269502 : f32
    %mul3A_44 = vector.broadcast %mul3A_43 : f32 to vector<1024x64xf32>
    %mul3A_45 = arith.mulf %max3A_42, %mul3A_44 : vector<1024x64xf32>
    %swap3A = arith.constant 0 : index
    %swap3A_46 = arith.constant 0 : index
    %swap3A_47 = vector.load %arg5[%swap3A, %swap3A_46] : memref<1024x128xf32, #tpu.memory_space<vmem>>, vector<1024x64xf32>
    tpu.vector_store %arg5[%swap3A, %swap3A_46], %mul3A_45 {strides = array<i32>} : memref<1024x128xf32, #tpu.memory_space<vmem>>, vector<1024x64xf32>,
    %slice3A_48 = vector.extract_strided_slice %dot_general3A_13 {offsets = [0, 64], sizes = [1024, 32], strides = [1, 1]} : vector<1024x128xf32> to vector<1024x32xf32>
    %reduce_sum3A_49 = arith.constant dense<0.000000e+00> : vector<1024xf32>
    %reduce_sum3A_50 = vector.multi_reduction <add>, %slice3A_48, %reduce_sum3A_49 [1] : vector<1024x32xf32> to vector<1024xf32>
    %broadcast_in_dim3A_51 = vector.shape_cast %reduce_sum3A_50 : vector<1024xf32> to vector<1024x1xf32>
    %div3A_52 = arith.constant 3.200000e+01 : f32
    %div3A_53 = vector.broadcast %div3A_52 : f32 to vector<1024x1xf32>
    %div3A_54 = arith.divf %broadcast_in_dim3A_51, %div3A_53 : vector<1024x1xf32>
    %sub3A_55 = vector.broadcast %div3A_54 : vector<1024x1xf32> to vector<1024x32xf32>
    %sub3A_56 = arith.subf %slice3A_48, %sub3A_55 : vector<1024x32xf32>
    %integer_pow3A_57 = arith.mulf %sub3A_56, %sub3A_56 : vector<1024x32xf32>
    %reduce_sum3A_58 = arith.constant dense<0.000000e+00> : vector<1024xf32>
    %reduce_sum3A_59 = vector.multi_reduction <add>, %integer_pow3A_57, %reduce_sum3A_58 [1] : vector<1024x32xf32> to vector<1024xf32>
    %broadcast_in_dim3A_60 = vector.shape_cast %reduce_sum3A_59 : vector<1024xf32> to vector<1024x1xf32>
    %div3A_61 = arith.constant 3.200000e+01 : f32
    %div3A_62 = vector.broadcast %div3A_61 : f32 to vector<1024x1xf32>
    %div3A_63 = arith.divf %broadcast_in_dim3A_60, %div3A_62 : vector<1024x1xf32>
    %sub3A_64 = vector.broadcast %div3A_54 : vector<1024x1xf32> to vector<1024x32xf32>
    %sub3A_65 = arith.subf %slice3A_48, %sub3A_64 : vector<1024x32xf32>
    %add3A_66 = arith.constant 9.99999974E-6 : f32
    %add3A_67 = vector.broadcast %add3A_66 : f32 to vector<1024x1xf32>
    %add3A_68 = arith.addf %div3A_63, %add3A_67 : vector<1024x1xf32>
    %sqrt3A_69 = math.sqrt %add3A_68 : vector<1024x1xf32>
    %div3A_70 = vector.broadcast %sqrt3A_69 : vector<1024x1xf32> to vector<1024x32xf32>
    %div3A_71 = arith.divf %sub3A_65, %div3A_70 : vector<1024x32xf32>
    %slice3A_72 = vector.extract_strided_slice %get3A_16 {offsets = [0, 64], sizes = [1, 32], strides = [1, 1]} : vector<1x128xf32> to vector<1x32xf32>
    %mul3A_73 = vector.broadcast %slice3A_72 : vector<1x32xf32> to vector<1024x32xf32>
    %mul3A_74 = arith.mulf %div3A_71, %mul3A_73 : vector<1024x32xf32>
    %slice3A_75 = vector.extract_strided_slice %get3A_19 {offsets = [0, 64], sizes = [1, 32], strides = [1, 1]} : vector<1x128xf32> to vector<1x32xf32>
    %add3A_76 = vector.broadcast %slice3A_75 : vector<1x32xf32> to vector<1024x32xf32>
    %add3A_77 = arith.addf %mul3A_74, %add3A_76 : vector<1024x32xf32>
    %max3A_78 = arith.constant 0.000000e+00 : f32
    %max3A_79 = vector.broadcast %max3A_78 : f32 to vector<1024x32xf32>
    %max3A_80 = arith.maximumf %add3A_77, %max3A_79 : vector<1024x32xf32>
    %mul3A_81 = arith.constant -1.44269502 : f32
    %mul3A_82 = vector.broadcast %mul3A_81 : f32 to vector<1024x32xf32>
    %mul3A_83 = arith.mulf %max3A_80, %mul3A_82 : vector<1024x32xf32>
    %swap3A_84 = arith.constant 0 : index
    %swap3A_85 = arith.constant 64 : index
    %swap3A_86 = vector.load %arg5[%swap3A_84, %swap3A_85] : memref<1024x128xf32, #tpu.memory_space<vmem>>, vector<1024x32xf32>
    tpu.vector_store %arg5[%swap3A_84, %swap3A_85], %mul3A_83 {strides = array<i32>} : memref<1024x128xf32, #tpu.memory_space<vmem>>, vector<1024x32xf32>,
    %slice3A_87 = vector.extract_strided_slice %dot_general3A_13 {offsets = [0, 96], sizes = [1024, 16], strides = [1, 1]} : vector<1024x128xf32> to vector<1024x16xf32>
    %reduce_sum3A_88 = arith.constant dense<0.000000e+00> : vector<1024xf32>
    %reduce_sum3A_89 = vector.multi_reduction <add>, %slice3A_87, %reduce_sum3A_88 [1] : vector<1024x16xf32> to vector<1024xf32>
    %broadcast_in_dim3A_90 = vector.shape_cast %reduce_sum3A_89 : vector<1024xf32> to vector<1024x1xf32>
    %div3A_91 = arith.constant 1.600000e+01 : f32
    %div3A_92 = vector.broadcast %div3A_91 : f32 to vector<1024x1xf32>
    %div3A_93 = arith.divf %broadcast_in_dim3A_90, %div3A_92 : vector<1024x1xf32>
    %sub3A_94 = vector.broadcast %div3A_93 : vector<1024x1xf32> to vector<1024x16xf32>
    %sub3A_95 = arith.subf %slice3A_87, %sub3A_94 : vector<1024x16xf32>
    %integer_pow3A_96 = arith.mulf %sub3A_95, %sub3A_95 : vector<1024x16xf32>
    %reduce_sum3A_97 = arith.constant dense<0.000000e+00> : vector<1024xf32>
    %reduce_sum3A_98 = vector.multi_reduction <add>, %integer_pow3A_96, %reduce_sum3A_97 [1] : vector<1024x16xf32> to vector<1024xf32>
    %broadcast_in_dim3A_99 = vector.shape_cast %reduce_sum3A_98 : vector<1024xf32> to vector<1024x1xf32>
    %div3A_100 = arith.constant 1.600000e+01 : f32
    %div3A_101 = vector.broadcast %div3A_100 : f32 to vector<1024x1xf32>
    %div3A_102 = arith.divf %broadcast_in_dim3A_99, %div3A_101 : vector<1024x1xf32>
    %sub3A_103 = vector.broadcast %div3A_93 : vector<1024x1xf32> to vector<1024x16xf32>
    %sub3A_104 = arith.subf %slice3A_87, %sub3A_103 : vector<1024x16xf32>
    %add3A_105 = arith.constant 9.99999974E-6 : f32
    %add3A_106 = vector.broadcast %add3A_105 : f32 to vector<1024x1xf32>
    %add3A_107 = arith.addf %div3A_102, %add3A_106 : vector<1024x1xf32>
    %sqrt3A_108 = math.sqrt %add3A_107 : vector<1024x1xf32>
    %div3A_109 = vector.broadcast %sqrt3A_108 : vector<1024x1xf32> to vector<1024x16xf32>
    %div3A_110 = arith.divf %sub3A_104, %div3A_109 : vector<1024x16xf32>
    %slice3A_111 = vector.extract_strided_slice %get3A_16 {offsets = [0, 96], sizes = [1, 16], strides = [1, 1]} : vector<1x128xf32> to vector<1x16xf32>
    %mul3A_112 = vector.broadcast %slice3A_111 : vector<1x16xf32> to vector<1024x16xf32>
    %mul3A_113 = arith.mulf %div3A_110, %mul3A_112 : vector<1024x16xf32>
    %slice3A_114 = vector.extract_strided_slice %get3A_19 {offsets = [0, 96], sizes = [1, 16], strides = [1, 1]} : vector<1x128xf32> to vector<1x16xf32>
    %add3A_115 = vector.broadcast %slice3A_114 : vector<1x16xf32> to vector<1024x16xf32>
    %add3A_116 = arith.addf %mul3A_113, %add3A_115 : vector<1024x16xf32>
    %max3A_117 = arith.constant 0.000000e+00 : f32
    %max3A_118 = vector.broadcast %max3A_117 : f32 to vector<1024x16xf32>
    %max3A_119 = arith.maximumf %add3A_116, %max3A_118 : vector<1024x16xf32>
    %mul3A_120 = arith.constant -1.44269502 : f32
    %mul3A_121 = vector.broadcast %mul3A_120 : f32 to vector<1024x16xf32>
    %mul3A_122 = arith.mulf %max3A_119, %mul3A_121 : vector<1024x16xf32>
    %swap3A_123 = arith.constant 0 : index
    %swap3A_124 = arith.constant 96 : index
    %swap3A_125 = vector.load %arg5[%swap3A_123, %swap3A_124] : memref<1024x128xf32, #tpu.memory_space<vmem>>, vector<1024x16xf32>
    tpu.vector_store %arg5[%swap3A_123, %swap3A_124], %mul3A_122 {strides = array<i32>} : memref<1024x128xf32, #tpu.memory_space<vmem>>, vector<1024x16xf32>,
    %broadcast_in_dim3A_126 = arith.constant 0.000000e+00 : f32
    %broadcast_in_dim3A_127 = vector.broadcast %broadcast_in_dim3A_126 : f32 to vector<1024x16xf32>
    %swap3A_128 = arith.constant 0 : index
    %swap3A_129 = arith.constant 112 : index
    %swap3A_130 = vector.load %arg5[%swap3A_128, %swap3A_129] : memref<1024x128xf32, #tpu.memory_space<vmem>>, vector<1024x16xf32>
    tpu.vector_store %arg5[%swap3A_128, %swap3A_129], %broadcast_in_dim3A_127 {strides = array<i32>} : memref<1024x128xf32, #tpu.memory_space<vmem>>, vector<1024x16xf32>,
    %iota3A = tpu.iota {dimensions = array<i32: 1>} : vector<1024x1024xi32>
    %broadcast_in_dim3A_131 = arith.constant false
    %broadcast_in_dim3A_132 = vector.broadcast %broadcast_in_dim3A_131 : i1 to vector<1024x1024xi1>
    %slice3A_133 = vector.extract_strided_slice %get3A_4 {offsets = [0, 0], sizes = [1024, 1], strides = [1, 1]} : vector<1024x5xi32> to vector<1024x1xi32>
    %eq3A = vector.broadcast %slice3A_133 : vector<1024x1xi32> to vector<1024x1024xi32>
    %eq3A_134 = arith.cmpi eq, %eq3A, %iota3A : vector<1024x1024xi32>
    %or3A = arith.ori %broadcast_in_dim3A_132, %eq3A_134 : vector<1024x1024xi1>
    %slice3A_135 = vector.extract_strided_slice %get3A_4 {offsets = [0, 1], sizes = [1024, 1], strides = [1, 1]} : vector<1024x5xi32> to vector<1024x1xi32>
    %eq3A_136 = vector.broadcast %slice3A_135 : vector<1024x1xi32> to vector<1024x1024xi32>
    %eq3A_137 = arith.cmpi eq, %eq3A_136, %iota3A : vector<1024x1024xi32>
    %or3A_138 = arith.ori %or3A, %eq3A_137 : vector<1024x1024xi1>
    %slice3A_139 = vector.extract_strided_slice %get3A_4 {offsets = [0, 2], sizes = [1024, 1], strides = [1, 1]} : vector<1024x5xi32> to vector<1024x1xi32>
    %eq3A_140 = vector.broadcast %slice3A_139 : vector<1024x1xi32> to vector<1024x1024xi32>
    %eq3A_141 = arith.cmpi eq, %eq3A_140, %iota3A : vector<1024x1024xi32>
    %or3A_142 = arith.ori %or3A_138, %eq3A_141 : vector<1024x1024xi1>
    %slice3A_143 = vector.extract_strided_slice %get3A_4 {offsets = [0, 3], sizes = [1024, 1], strides = [1, 1]} : vector<1024x5xi32> to vector<1024x1xi32>
    %eq3A_144 = vector.broadcast %slice3A_143 : vector<1024x1xi32> to vector<1024x1024xi32>
    %eq3A_145 = arith.cmpi eq, %eq3A_144, %iota3A : vector<1024x1024xi32>
    %or3A_146 = arith.ori %or3A_142, %eq3A_145 : vector<1024x1024xi1>
    %slice3A_147 = vector.extract_strided_slice %get3A_4 {offsets = [0, 4], sizes = [1024, 1], strides = [1, 1]} : vector<1024x5xi32> to vector<1024x1xi32>
    %eq3A_148 = vector.broadcast %slice3A_147 : vector<1024x1xi32> to vector<1024x1024xi32>
    %eq3A_149 = arith.cmpi eq, %eq3A_148, %iota3A : vector<1024x1024xi32>
    %or3A_150 = arith.ori %or3A_146, %eq3A_149 : vector<1024x1024xi1>
    %lt3A = arith.constant 1000 : i32
    %lt3A_151 = vector.broadcast %lt3A : i32 to vector<1024x1024xi32>
    %lt3A_152 = arith.cmpi slt, %iota3A, %lt3A_151 : vector<1024x1024xi32>
    %and3A = arith.andi %or3A_150, %lt3A_152 : vector<1024x1024xi1>
    %max3A_153 = arith.constant 0.000000e+00 : f32
    %max3A_154 = vector.broadcast %max3A_153 : f32 to vector<1024x1024xf32>
    %max3A_155 = arith.maximumf %dot_general3A_8, %max3A_154 : vector<1024x1024xf32>
    %abs3A = math.absf %dot_general3A_8 : vector<1024x1024xf32>
    %neg3A = arith.constant 0.000000e+00 : f32
    %neg3A_156 = vector.broadcast %neg3A : f32 to vector<1024x1024xf32>
    %neg3A_157 = arith.subf %neg3A_156, %abs3A : vector<1024x1024xf32>
    %exp3A = math.exp %neg3A_157 : vector<1024x1024xf32>
    %log1p3A = math.log1p %exp3A : vector<1024x1024xf32>
    %add3A_158 = arith.addf %max3A_155, %log1p3A : vector<1024x1024xf32>
    %lt3A_159 = arith.constant 1000 : i32
    %lt3A_160 = vector.broadcast %lt3A_159 : i32 to vector<1024x1024xi32>
    %lt3A_161 = arith.cmpi slt, %iota3A, %lt3A_160 : vector<1024x1024xi32>
    %convert_element_type3A = arith.extui %lt3A_161 : vector<1024x1024xi1> to vector<1024x1024xi32>
    %convert_element_type3A_162 = arith.sitofp %convert_element_type3A : vector<1024x1024xi32> to vector<1024x1024xf32>
    %mul3A_163 = arith.mulf %add3A_158, %convert_element_type3A_162 : vector<1024x1024xf32>
    %reduce_sum3A_164 = arith.constant dense<0.000000e+00> : vector<1024xf32>
    %reduce_sum3A_165 = vector.multi_reduction <add>, %mul3A_163, %reduce_sum3A_164 [1] : vector<1024x1024xf32> to vector<1024xf32>
    %broadcast_in_dim3A_166 = vector.shape_cast %reduce_sum3A_165 : vector<1024xf32> to vector<1024x1xf32>
    %jit3A = arith.constant 0.000000e+00 : f32
    %broadcast_in_dim3A_167 = vector.broadcast %jit3A : f32 to vector<1024x1024xf32>
    %select_n3A = arith.select %and3A, %dot_general3A_8, %broadcast_in_dim3A_167 : vector<1024x1024xi1>, vector<1024x1024xf32>
    %reduce_sum3A_168 = arith.constant dense<0.000000e+00> : vector<1024xf32>
    %reduce_sum3A_169 = vector.multi_reduction <add>, %select_n3A, %reduce_sum3A_168 [1] : vector<1024x1024xf32> to vector<1024xf32>
    %broadcast_in_dim3A_170 = vector.shape_cast %reduce_sum3A_169 : vector<1024xf32> to vector<1024x1xf32>
    %sub3A_171 = arith.subf %broadcast_in_dim3A_166, %broadcast_in_dim3A_170 : vector<1024x1xf32>
    %broadcast_in_dim3A_172 = arith.constant 1.000000e+03 : f32
    %broadcast_in_dim3A_173 = vector.broadcast %broadcast_in_dim3A_172 : f32 to vector<1024x1xf32>
    %broadcast_in_dim3A_174 = arith.constant false
    %broadcast_in_dim3A_175 = vector.broadcast %broadcast_in_dim3A_174 : i1 to vector<1024x1xi1>
    %slice3A_176 = vector.extract_strided_slice %get3A_4 {offsets = [0, 0], sizes = [1024, 1], strides = [1, 1]} : vector<1024x5xi32> to vector<1024x1xi32>
    %ge3A = arith.constant 1000 : i32
    %ge3A_177 = vector.broadcast %ge3A : i32 to vector<1024x1xi32>
    %ge3A_178 = arith.cmpi sge, %slice3A_176, %ge3A_177 : vector<1024x1xi32>
    %lt3A_179 = arith.constant 10000 : i32
    %lt3A_180 = vector.broadcast %lt3A_179 : i32 to vector<1024x1xi32>
    %lt3A_181 = arith.cmpi slt, %slice3A_176, %lt3A_180 : vector<1024x1xi32>
    %and3A_182 = arith.andi %ge3A_178, %lt3A_181 : vector<1024x1xi1>
    %or3A_183 = arith.ori %broadcast_in_dim3A_175, %and3A_182 : vector<1024x1xi1>
    %slice3A_184 = vector.extract_strided_slice %get3A_4 {offsets = [0, 1], sizes = [1024, 1], strides = [1, 1]} : vector<1024x5xi32> to vector<1024x1xi32>
    %ge3A_185 = arith.constant 1000 : i32
    %ge3A_186 = vector.broadcast %ge3A_185 : i32 to vector<1024x1xi32>
    %ge3A_187 = arith.cmpi sge, %slice3A_184, %ge3A_186 : vector<1024x1xi32>
    %lt3A_188 = arith.constant 10000 : i32
    %lt3A_189 = vector.broadcast %lt3A_188 : i32 to vector<1024x1xi32>
    %lt3A_190 = arith.cmpi slt, %slice3A_184, %lt3A_189 : vector<1024x1xi32>
    %and3A_191 = arith.andi %ge3A_187, %lt3A_190 : vector<1024x1xi1>
    %or3A_192 = arith.ori %or3A_183, %and3A_191 : vector<1024x1xi1>
    %slice3A_193 = vector.extract_strided_slice %get3A_4 {offsets = [0, 2], sizes = [1024, 1], strides = [1, 1]} : vector<1024x5xi32> to vector<1024x1xi32>
    %ge3A_194 = arith.constant 1000 : i32
    %ge3A_195 = vector.broadcast %ge3A_194 : i32 to vector<1024x1xi32>
    %ge3A_196 = arith.cmpi sge, %slice3A_193, %ge3A_195 : vector<1024x1xi32>
    %lt3A_197 = arith.constant 10000 : i32
    %lt3A_198 = vector.broadcast %lt3A_197 : i32 to vector<1024x1xi32>
    %lt3A_199 = arith.cmpi slt, %slice3A_193, %lt3A_198 : vector<1024x1xi32>
    %and3A_200 = arith.andi %ge3A_196, %lt3A_199 : vector<1024x1xi1>
    %or3A_201 = arith.ori %or3A_192, %and3A_200 : vector<1024x1xi1>
    %slice3A_202 = vector.extract_strided_slice %get3A_4 {offsets = [0, 3], sizes = [1024, 1], strides = [1, 1]} : vector<1024x5xi32> to vector<1024x1xi32>
    %ge3A_203 = arith.constant 1000 : i32
    %ge3A_204 = vector.broadcast %ge3A_203 : i32 to vector<1024x1xi32>
    %ge3A_205 = arith.cmpi sge, %slice3A_202, %ge3A_204 : vector<1024x1xi32>
    %lt3A_206 = arith.constant 10000 : i32
    %lt3A_207 = vector.broadcast %lt3A_206 : i32 to vector<1024x1xi32>
    %lt3A_208 = arith.cmpi slt, %slice3A_202, %lt3A_207 : vector<1024x1xi32>
    %and3A_209 = arith.andi %ge3A_205, %lt3A_208 : vector<1024x1xi1>
    %or3A_210 = arith.ori %or3A_201, %and3A_209 : vector<1024x1xi1>
    %slice3A_211 = vector.extract_strided_slice %get3A_4 {offsets = [0, 4], sizes = [1024, 1], strides = [1, 1]} : vector<1024x5xi32> to vector<1024x1xi32>
    %ge3A_212 = arith.constant 1000 : i32
    %ge3A_213 = vector.broadcast %ge3A_212 : i32 to vector<1024x1xi32>
    %ge3A_214 = arith.cmpi sge, %slice3A_211, %ge3A_213 : vector<1024x1xi32>
    %lt3A_215 = arith.constant 10000 : i32
    %lt3A_216 = vector.broadcast %lt3A_215 : i32 to vector<1024x1xi32>
    %lt3A_217 = arith.cmpi slt, %slice3A_211, %lt3A_216 : vector<1024x1xi32>
    %and3A_218 = arith.andi %ge3A_214, %lt3A_217 : vector<1024x1xi1>
    %or3A_219 = arith.ori %or3A_210, %and3A_218 : vector<1024x1xi1>
    %convert_element_type3A_220 = arith.extui %or3A_219 : vector<1024x1xi1> to vector<1024x1xi32>
    %convert_element_type3A_221 = arith.sitofp %convert_element_type3A_220 : vector<1024x1xi32> to vector<1024x1xf32>
    %slice3A_222 = vector.extract_strided_slice %dot_general3A_8 {offsets = [0, 1000], sizes = [1024, 1], strides = [1, 1]} : vector<1024x1024xf32> to vector<1024x1xf32>
    %max3A_223 = arith.constant 0.000000e+00 : f32
    %max3A_224 = vector.broadcast %max3A_223 : f32 to vector<1024x1xf32>
    %max3A_225 = arith.maximumf %slice3A_222, %max3A_224 : vector<1024x1xf32>
    %abs3A_226 = math.absf %slice3A_222 : vector<1024x1xf32>
    %neg3A_227 = arith.constant 0.000000e+00 : f32
    %neg3A_228 = vector.broadcast %neg3A_227 : f32 to vector<1024x1xf32>
    %neg3A_229 = arith.subf %neg3A_228, %abs3A_226 : vector<1024x1xf32>
    %exp3A_230 = math.exp %neg3A_229 : vector<1024x1xf32>
    %log1p3A_231 = math.log1p %exp3A_230 : vector<1024x1xf32>
    %add3A_232 = arith.addf %max3A_225, %log1p3A_231 : vector<1024x1xf32>
    %sub3A_233 = arith.constant 1.000000e+00 : f32
    %sub3A_234 = vector.broadcast %sub3A_233 : f32 to vector<1024x1xf32>
    %sub3A_235 = arith.subf %sub3A_234, %convert_element_type3A_221 : vector<1024x1xf32>
    %mul3A_236 = arith.mulf %sub3A_235, %add3A_232 : vector<1024x1xf32>
    %add3A_237 = arith.addf %sub3A_171, %mul3A_236 : vector<1024x1xf32>
    %jit3A_238 = arith.constant 9.000000e+03 : f32
    %jit3A_239 = arith.constant 1.000000e+00 : f32
    %broadcast_in_dim3A_240 = vector.broadcast %jit3A_238 : f32 to vector<1024x1xf32>
    %broadcast_in_dim3A_241 = vector.broadcast %jit3A_239 : f32 to vector<1024x1xf32>
    %select_n3A_242 = arith.select %or3A_219, %broadcast_in_dim3A_240, %broadcast_in_dim3A_241 : vector<1024x1xi1>, vector<1024x1xf32>
    %add3A_243 = arith.addf %broadcast_in_dim3A_173, %select_n3A_242 : vector<1024x1xf32>
    %swap3A_244 = arith.constant 0 : index
    %swap3A_245 = arith.constant 2 : index
    %swap3A_246 = vector.load %arg6[%swap3A_244, %swap3A_245] : memref<1024x128xf32, #tpu.memory_space<vmem>>, vector<1024x1xf32>
    tpu.vector_store %arg6[%swap3A_244, %swap3A_245], %convert_element_type3A_221 {strides = array<i32>} : memref<1024x128xf32, #tpu.memory_space<vmem>>, vector<1024x1xf32>,
    %slice3A_247 = vector.extract_strided_slice %dot_general3A_8 {offsets = [0, 1000], sizes = [1024, 1], strides = [1, 1]} : vector<1024x1024xf32> to vector<1024x1xf32>
    %logistic3A = arith.negf %slice3A_247 : vector<1024x1xf32>
    %logistic3A_248 = math.exp %logistic3A : vector<1024x1xf32>
    %logistic3A_249 = arith.constant 1.000000e+00 : f32
    %logistic3A_250 = vector.broadcast %logistic3A_249 : f32 to vector<1024x1xf32>
    %logistic3A_251 = arith.addf %logistic3A_250, %logistic3A_248 : vector<1024x1xf32>
    %logistic3A_252 = arith.divf %logistic3A_250, %logistic3A_251 : vector<1024x1xf32>
    %swap3A_253 = arith.constant 0 : index
    %swap3A_254 = arith.constant 5 : index
    %swap3A_255 = vector.load %arg6[%swap3A_253, %swap3A_254] : memref<1024x128xf32, #tpu.memory_space<vmem>>, vector<1024x1xf32>
    tpu.vector_store %arg6[%swap3A_253, %swap3A_254], %logistic3A_252 {strides = array<i32>} : memref<1024x128xf32, #tpu.memory_space<vmem>>, vector<1024x1xf32>,
    %broadcast_in_dim3A_256 = arith.constant false
    %broadcast_in_dim3A_257 = vector.broadcast %broadcast_in_dim3A_256 : i1 to vector<1024x1xi1>
    %slice3A_258 = vector.extract_strided_slice %get3A_4 {offsets = [0, 0], sizes = [1024, 1], strides = [1, 1]} : vector<1024x5xi32> to vector<1024x1xi32>
    %ge3A_259 = arith.constant 10000 : i32
    %ge3A_260 = vector.broadcast %ge3A_259 : i32 to vector<1024x1xi32>
    %ge3A_261 = arith.cmpi sge, %slice3A_258, %ge3A_260 : vector<1024x1xi32>
    %lt3A_262 = arith.constant 40000 : i32
    %lt3A_263 = vector.broadcast %lt3A_262 : i32 to vector<1024x1xi32>
    %lt3A_264 = arith.cmpi slt, %slice3A_258, %lt3A_263 : vector<1024x1xi32>
    %and3A_265 = arith.andi %ge3A_261, %lt3A_264 : vector<1024x1xi1>
    %or3A_266 = arith.ori %broadcast_in_dim3A_257, %and3A_265 : vector<1024x1xi1>
    %slice3A_267 = vector.extract_strided_slice %get3A_4 {offsets = [0, 1], sizes = [1024, 1], strides = [1, 1]} : vector<1024x5xi32> to vector<1024x1xi32>
    %ge3A_268 = arith.constant 10000 : i32
    %ge3A_269 = vector.broadcast %ge3A_268 : i32 to vector<1024x1xi32>
    %ge3A_270 = arith.cmpi sge, %slice3A_267, %ge3A_269 : vector<1024x1xi32>
    %lt3A_271 = arith.constant 40000 : i32
    %lt3A_272 = vector.broadcast %lt3A_271 : i32 to vector<1024x1xi32>
    %lt3A_273 = arith.cmpi slt, %slice3A_267, %lt3A_272 : vector<1024x1xi32>
    %and3A_274 = arith.andi %ge3A_270, %lt3A_273 : vector<1024x1xi1>
    %or3A_275 = arith.ori %or3A_266, %and3A_274 : vector<1024x1xi1>
    %slice3A_276 = vector.extract_strided_slice %get3A_4 {offsets = [0, 2], sizes = [1024, 1], strides = [1, 1]} : vector<1024x5xi32> to vector<1024x1xi32>
    %ge3A_277 = arith.constant 10000 : i32
    %ge3A_278 = vector.broadcast %ge3A_277 : i32 to vector<1024x1xi32>
    %ge3A_279 = arith.cmpi sge, %slice3A_276, %ge3A_278 : vector<1024x1xi32>
    %lt3A_280 = arith.constant 40000 : i32
    %lt3A_281 = vector.broadcast %lt3A_280 : i32 to vector<1024x1xi32>
    %lt3A_282 = arith.cmpi slt, %slice3A_276, %lt3A_281 : vector<1024x1xi32>
    %and3A_283 = arith.andi %ge3A_279, %lt3A_282 : vector<1024x1xi1>
    %or3A_284 = arith.ori %or3A_275, %and3A_283 : vector<1024x1xi1>
    %slice3A_285 = vector.extract_strided_slice %get3A_4 {offsets = [0, 3], sizes = [1024, 1], strides = [1, 1]} : vector<1024x5xi32> to vector<1024x1xi32>
    %ge3A_286 = arith.constant 10000 : i32
    %ge3A_287 = vector.broadcast %ge3A_286 : i32 to vector<1024x1xi32>
    %ge3A_288 = arith.cmpi sge, %slice3A_285, %ge3A_287 : vector<1024x1xi32>
    %lt3A_289 = arith.constant 40000 : i32
    %lt3A_290 = vector.broadcast %lt3A_289 : i32 to vector<1024x1xi32>
    %lt3A_291 = arith.cmpi slt, %slice3A_285, %lt3A_290 : vector<1024x1xi32>
    %and3A_292 = arith.andi %ge3A_288, %lt3A_291 : vector<1024x1xi1>
    %or3A_293 = arith.ori %or3A_284, %and3A_292 : vector<1024x1xi1>
    %slice3A_294 = vector.extract_strided_slice %get3A_4 {offsets = [0, 4], sizes = [1024, 1], strides = [1, 1]} : vector<1024x5xi32> to vector<1024x1xi32>
    %ge3A_295 = arith.constant 10000 : i32
    %ge3A_296 = vector.broadcast %ge3A_295 : i32 to vector<1024x1xi32>
    %ge3A_297 = arith.cmpi sge, %slice3A_294, %ge3A_296 : vector<1024x1xi32>
    %lt3A_298 = arith.constant 40000 : i32
    %lt3A_299 = vector.broadcast %lt3A_298 : i32 to vector<1024x1xi32>
    %lt3A_300 = arith.cmpi slt, %slice3A_294, %lt3A_299 : vector<1024x1xi32>
    %and3A_301 = arith.andi %ge3A_297, %lt3A_300 : vector<1024x1xi1>
    %or3A_302 = arith.ori %or3A_293, %and3A_301 : vector<1024x1xi1>
    %convert_element_type3A_303 = arith.extui %or3A_302 : vector<1024x1xi1> to vector<1024x1xi32>
    %convert_element_type3A_304 = arith.sitofp %convert_element_type3A_303 : vector<1024x1xi32> to vector<1024x1xf32>
    %slice3A_305 = vector.extract_strided_slice %dot_general3A_8 {offsets = [0, 1001], sizes = [1024, 1], strides = [1, 1]} : vector<1024x1024xf32> to vector<1024x1xf32>
    %max3A_306 = arith.constant 0.000000e+00 : f32
    %max3A_307 = vector.broadcast %max3A_306 : f32 to vector<1024x1xf32>
    %max3A_308 = arith.maximumf %slice3A_305, %max3A_307 : vector<1024x1xf32>
    %abs3A_309 = math.absf %slice3A_305 : vector<1024x1xf32>
    %neg3A_310 = arith.constant 0.000000e+00 : f32
    %neg3A_311 = vector.broadcast %neg3A_310 : f32 to vector<1024x1xf32>
    %neg3A_312 = arith.subf %neg3A_311, %abs3A_309 : vector<1024x1xf32>
    %exp3A_313 = math.exp %neg3A_312 : vector<1024x1xf32>
    %log1p3A_314 = math.log1p %exp3A_313 : vector<1024x1xf32>
    %add3A_315 = arith.addf %max3A_308, %log1p3A_314 : vector<1024x1xf32>
    %sub3A_316 = arith.constant 1.000000e+00 : f32
    %sub3A_317 = vector.broadcast %sub3A_316 : f32 to vector<1024x1xf32>
    %sub3A_318 = arith.subf %sub3A_317, %convert_element_type3A_304 : vector<1024x1xf32>
    %mul3A_319 = arith.mulf %sub3A_318, %add3A_315 : vector<1024x1xf32>
    %add3A_320 = arith.addf %add3A_237, %mul3A_319 : vector<1024x1xf32>
    %jit3A_321 = arith.constant 3.000000e+04 : f32
    %jit3A_322 = arith.constant 1.000000e+00 : f32
    %broadcast_in_dim3A_323 = vector.broadcast %jit3A_321 : f32 to vector<1024x1xf32>
    %broadcast_in_dim3A_324 = vector.broadcast %jit3A_322 : f32 to vector<1024x1xf32>
    %select_n3A_325 = arith.select %or3A_302, %broadcast_in_dim3A_323, %broadcast_in_dim3A_324 : vector<1024x1xi1>, vector<1024x1xf32>
    %add3A_326 = arith.addf %add3A_243, %select_n3A_325 : vector<1024x1xf32>
    %swap3A_327 = arith.constant 0 : index
    %swap3A_328 = arith.constant 3 : index
    %swap3A_329 = vector.load %arg6[%swap3A_327, %swap3A_328] : memref<1024x128xf32, #tpu.memory_space<vmem>>, vector<1024x1xf32>
    tpu.vector_store %arg6[%swap3A_327, %swap3A_328], %convert_element_type3A_304 {strides = array<i32>} : memref<1024x128xf32, #tpu.memory_space<vmem>>, vector<1024x1xf32>,
    %slice3A_330 = vector.extract_strided_slice %dot_general3A_8 {offsets = [0, 1001], sizes = [1024, 1], strides = [1, 1]} : vector<1024x1024xf32> to vector<1024x1xf32>
    %logistic3A_331 = arith.negf %slice3A_330 : vector<1024x1xf32>
    %logistic3A_332 = math.exp %logistic3A_331 : vector<1024x1xf32>
    %logistic3A_333 = arith.constant 1.000000e+00 : f32
    %logistic3A_334 = vector.broadcast %logistic3A_333 : f32 to vector<1024x1xf32>
    %logistic3A_335 = arith.addf %logistic3A_334, %logistic3A_332 : vector<1024x1xf32>
    %logistic3A_336 = arith.divf %logistic3A_334, %logistic3A_335 : vector<1024x1xf32>
    %swap3A_337 = arith.constant 0 : index
    %swap3A_338 = arith.constant 6 : index
    %swap3A_339 = vector.load %arg6[%swap3A_337, %swap3A_338] : memref<1024x128xf32, #tpu.memory_space<vmem>>, vector<1024x1xf32>
    tpu.vector_store %arg6[%swap3A_337, %swap3A_338], %logistic3A_336 {strides = array<i32>} : memref<1024x128xf32, #tpu.memory_space<vmem>>, vector<1024x1xf32>,
    %broadcast_in_dim3A_340 = arith.constant false
    %broadcast_in_dim3A_341 = vector.broadcast %broadcast_in_dim3A_340 : i1 to vector<1024x1xi1>
    %slice3A_342 = vector.extract_strided_slice %get3A_4 {offsets = [0, 0], sizes = [1024, 1], strides = [1, 1]} : vector<1024x5xi32> to vector<1024x1xi32>
    %ge3A_343 = arith.constant 40000 : i32
    %ge3A_344 = vector.broadcast %ge3A_343 : i32 to vector<1024x1xi32>
    %ge3A_345 = arith.cmpi sge, %slice3A_342, %ge3A_344 : vector<1024x1xi32>
    %lt3A_346 = arith.constant 100000 : i32
    %lt3A_347 = vector.broadcast %lt3A_346 : i32 to vector<1024x1xi32>
    %lt3A_348 = arith.cmpi slt, %slice3A_342, %lt3A_347 : vector<1024x1xi32>
    %and3A_349 = arith.andi %ge3A_345, %lt3A_348 : vector<1024x1xi1>
    %or3A_350 = arith.ori %broadcast_in_dim3A_341, %and3A_349 : vector<1024x1xi1>
    %slice3A_351 = vector.extract_strided_slice %get3A_4 {offsets = [0, 1], sizes = [1024, 1], strides = [1, 1]} : vector<1024x5xi32> to vector<1024x1xi32>
    %ge3A_352 = arith.constant 40000 : i32
    %ge3A_353 = vector.broadcast %ge3A_352 : i32 to vector<1024x1xi32>
    %ge3A_354 = arith.cmpi sge, %slice3A_351, %ge3A_353 : vector<1024x1xi32>
    %lt3A_355 = arith.constant 100000 : i32
    %lt3A_356 = vector.broadcast %lt3A_355 : i32 to vector<1024x1xi32>
    %lt3A_357 = arith.cmpi slt, %slice3A_351, %lt3A_356 : vector<1024x1xi32>
    %and3A_358 = arith.andi %ge3A_354, %lt3A_357 : vector<1024x1xi1>
    %or3A_359 = arith.ori %or3A_350, %and3A_358 : vector<1024x1xi1>
    %slice3A_360 = vector.extract_strided_slice %get3A_4 {offsets = [0, 2], sizes = [1024, 1], strides = [1, 1]} : vector<1024x5xi32> to vector<1024x1xi32>
    %ge3A_361 = arith.constant 40000 : i32
    %ge3A_362 = vector.broadcast %ge3A_361 : i32 to vector<1024x1xi32>
    %ge3A_363 = arith.cmpi sge, %slice3A_360, %ge3A_362 : vector<1024x1xi32>
    %lt3A_364 = arith.constant 100000 : i32
    %lt3A_365 = vector.broadcast %lt3A_364 : i32 to vector<1024x1xi32>
    %lt3A_366 = arith.cmpi slt, %slice3A_360, %lt3A_365 : vector<1024x1xi32>
    %and3A_367 = arith.andi %ge3A_363, %lt3A_366 : vector<1024x1xi1>
    %or3A_368 = arith.ori %or3A_359, %and3A_367 : vector<1024x1xi1>
    %slice3A_369 = vector.extract_strided_slice %get3A_4 {offsets = [0, 3], sizes = [1024, 1], strides = [1, 1]} : vector<1024x5xi32> to vector<1024x1xi32>
    %ge3A_370 = arith.constant 40000 : i32
    %ge3A_371 = vector.broadcast %ge3A_370 : i32 to vector<1024x1xi32>
    %ge3A_372 = arith.cmpi sge, %slice3A_369, %ge3A_371 : vector<1024x1xi32>
    %lt3A_373 = arith.constant 100000 : i32
    %lt3A_374 = vector.broadcast %lt3A_373 : i32 to vector<1024x1xi32>
    %lt3A_375 = arith.cmpi slt, %slice3A_369, %lt3A_374 : vector<1024x1xi32>
    %and3A_376 = arith.andi %ge3A_372, %lt3A_375 : vector<1024x1xi1>
    %or3A_377 = arith.ori %or3A_368, %and3A_376 : vector<1024x1xi1>
    %slice3A_378 = vector.extract_strided_slice %get3A_4 {offsets = [0, 4], sizes = [1024, 1], strides = [1, 1]} : vector<1024x5xi32> to vector<1024x1xi32>
    %ge3A_379 = arith.constant 40000 : i32
    %ge3A_380 = vector.broadcast %ge3A_379 : i32 to vector<1024x1xi32>
    %ge3A_381 = arith.cmpi sge, %slice3A_378, %ge3A_380 : vector<1024x1xi32>
    %lt3A_382 = arith.constant 100000 : i32
    %lt3A_383 = vector.broadcast %lt3A_382 : i32 to vector<1024x1xi32>
    %lt3A_384 = arith.cmpi slt, %slice3A_378, %lt3A_383 : vector<1024x1xi32>
    %and3A_385 = arith.andi %ge3A_381, %lt3A_384 : vector<1024x1xi1>
    %or3A_386 = arith.ori %or3A_377, %and3A_385 : vector<1024x1xi1>
    %convert_element_type3A_387 = arith.extui %or3A_386 : vector<1024x1xi1> to vector<1024x1xi32>
    %convert_element_type3A_388 = arith.sitofp %convert_element_type3A_387 : vector<1024x1xi32> to vector<1024x1xf32>
    %slice3A_389 = vector.extract_strided_slice %dot_general3A_8 {offsets = [0, 1002], sizes = [1024, 1], strides = [1, 1]} : vector<1024x1024xf32> to vector<1024x1xf32>
    %max3A_390 = arith.constant 0.000000e+00 : f32
    %max3A_391 = vector.broadcast %max3A_390 : f32 to vector<1024x1xf32>
    %max3A_392 = arith.maximumf %slice3A_389, %max3A_391 : vector<1024x1xf32>
    %abs3A_393 = math.absf %slice3A_389 : vector<1024x1xf32>
    %neg3A_394 = arith.constant 0.000000e+00 : f32
    %neg3A_395 = vector.broadcast %neg3A_394 : f32 to vector<1024x1xf32>
    %neg3A_396 = arith.subf %neg3A_395, %abs3A_393 : vector<1024x1xf32>
    %exp3A_397 = math.exp %neg3A_396 : vector<1024x1xf32>
    %log1p3A_398 = math.log1p %exp3A_397 : vector<1024x1xf32>
    %add3A_399 = arith.addf %max3A_392, %log1p3A_398 : vector<1024x1xf32>
    %sub3A_400 = arith.constant 1.000000e+00 : f32
    %sub3A_401 = vector.broadcast %sub3A_400 : f32 to vector<1024x1xf32>
    %sub3A_402 = arith.subf %sub3A_401, %convert_element_type3A_388 : vector<1024x1xf32>
    %mul3A_403 = arith.mulf %sub3A_402, %add3A_399 : vector<1024x1xf32>
    %add3A_404 = arith.addf %add3A_320, %mul3A_403 : vector<1024x1xf32>
    %jit3A_405 = arith.constant 6.000000e+04 : f32
    %jit3A_406 = arith.constant 1.000000e+00 : f32
    %broadcast_in_dim3A_407 = vector.broadcast %jit3A_405 : f32 to vector<1024x1xf32>
    %broadcast_in_dim3A_408 = vector.broadcast %jit3A_406 : f32 to vector<1024x1xf32>
    %select_n3A_409 = arith.select %or3A_386, %broadcast_in_dim3A_407, %broadcast_in_dim3A_408 : vector<1024x1xi1>, vector<1024x1xf32>
    %add3A_410 = arith.addf %add3A_326, %select_n3A_409 : vector<1024x1xf32>
    %swap3A_411 = arith.constant 0 : index
    %swap3A_412 = arith.constant 4 : index
    %swap3A_413 = vector.load %arg6[%swap3A_411, %swap3A_412] : memref<1024x128xf32, #tpu.memory_space<vmem>>, vector<1024x1xf32>
    tpu.vector_store %arg6[%swap3A_411, %swap3A_412], %convert_element_type3A_388 {strides = array<i32>} : memref<1024x128xf32, #tpu.memory_space<vmem>>, vector<1024x1xf32>,
    %slice3A_414 = vector.extract_strided_slice %dot_general3A_8 {offsets = [0, 1002], sizes = [1024, 1], strides = [1, 1]} : vector<1024x1024xf32> to vector<1024x1xf32>
    %logistic3A_415 = arith.negf %slice3A_414 : vector<1024x1xf32>
    %logistic3A_416 = math.exp %logistic3A_415 : vector<1024x1xf32>
    %logistic3A_417 = arith.constant 1.000000e+00 : f32
    %logistic3A_418 = vector.broadcast %logistic3A_417 : f32 to vector<1024x1xf32>
    %logistic3A_419 = arith.addf %logistic3A_418, %logistic3A_416 : vector<1024x1xf32>
    %logistic3A_420 = arith.divf %logistic3A_418, %logistic3A_419 : vector<1024x1xf32>
    %swap3A_421 = arith.constant 0 : index
    %swap3A_422 = arith.constant 7 : index
    %swap3A_423 = vector.load %arg6[%swap3A_421, %swap3A_422] : memref<1024x128xf32, #tpu.memory_space<vmem>>, vector<1024x1xf32>
    tpu.vector_store %arg6[%swap3A_421, %swap3A_422], %logistic3A_420 {strides = array<i32>} : memref<1024x128xf32, #tpu.memory_space<vmem>>, vector<1024x1xf32>,
    %swap3A_424 = arith.constant 0 : index
    %swap3A_425 = arith.constant 0 : index
    %swap3A_426 = vector.load %arg6[%swap3A_424, %swap3A_425] : memref<1024x128xf32, #tpu.memory_space<vmem>>, vector<1024x1xf32>
    tpu.vector_store %arg6[%swap3A_424, %swap3A_425], %add3A_404 {strides = array<i32>} : memref<1024x128xf32, #tpu.memory_space<vmem>>, vector<1024x1xf32>,
    %swap3A_427 = arith.constant 0 : index
    %swap3A_428 = arith.constant 1 : index
    %swap3A_429 = vector.load %arg6[%swap3A_427, %swap3A_428] : memref<1024x128xf32, #tpu.memory_space<vmem>>, vector<1024x1xf32>
    tpu.vector_store %arg6[%swap3A_427, %swap3A_428], %add3A_410 {strides = array<i32>} : memref<1024x128xf32, #tpu.memory_space<vmem>>, vector<1024x1xf32>,
    %broadcast_in_dim3A_430 = arith.constant 0 : i32
    %broadcast_in_dim3A_431 = vector.broadcast %broadcast_in_dim3A_430 : i32 to vector<1024x128xi32>
    %swap3A_432 = arith.constant 0 : index
    %swap3A_433 = arith.constant 0 : index
    %swap3A_434 = vector.load %arg7[%swap3A_432, %swap3A_433] : memref<1024x128xi32, #tpu.memory_space<vmem>>, vector<1024x128xi32>
    tpu.vector_store %arg7[%swap3A_432, %swap3A_433], %broadcast_in_dim3A_431 {strides = array<i32>} : memref<1024x128xi32, #tpu.memory_space<vmem>>, vector<1024x128xi32>,
    %slice3A_435 = vector.extract_strided_slice %get3A_4 {offsets = [0, 0], sizes = [1024, 1], strides = [1, 1]} : vector<1024x5xi32> to vector<1024x1xi32>
    %broadcast_in_dim3A_436 = arith.constant false
    %broadcast_in_dim3A_437 = vector.broadcast %broadcast_in_dim3A_436 : i1 to vector<1024x1xi1>
    %sub3A_438 = arith.constant 1000 : i32
    %sub3A_439 = vector.broadcast %sub3A_438 : i32 to vector<1024x1xi32>
    %sub3A_440 = arith.subi %slice3A_435, %sub3A_439 : vector<1024x1xi32>
    %jit3A_441 = arith.constant -1 : i32
    %broadcast_in_dim3A_442 = vector.broadcast %jit3A_441 : i32 to vector<1024x1xi32>
    %select_n3A_443 = arith.select %broadcast_in_dim3A_437, %broadcast_in_dim3A_442, %sub3A_440 : vector<1024x1xi1>, vector<1024x1xi32>
    %convert_element_type3A_444 = arith.sitofp %select_n3A_443 : vector<1024x1xi32> to vector<1024x1xf32>
    %swap3A_445 = arith.constant 0 : index
    %swap3A_446 = arith.constant 16 : index
    %swap3A_447 = vector.load %arg6[%swap3A_445, %swap3A_446] : memref<1024x128xf32, #tpu.memory_space<vmem>>, vector<1024x1xf32>
    tpu.vector_store %arg6[%swap3A_445, %swap3A_446], %convert_element_type3A_444 {strides = array<i32>} : memref<1024x128xf32, #tpu.memory_space<vmem>>, vector<1024x1xf32>,
    %max3A_448 = arith.constant 0 : i32
    %max3A_449 = vector.broadcast %max3A_448 : i32 to vector<1024x1xi32>
    %max3A_450 = arith.maxsi %select_n3A_443, %max3A_449 : vector<1024x1xi32>
    %swap3A_451 = arith.constant 0 : index
    %swap3A_452 = arith.constant 0 : index
    %swap3A_453 = vector.load %arg7[%swap3A_451, %swap3A_452] : memref<1024x128xi32, #tpu.memory_space<vmem>>, vector<1024x1xi32>
    tpu.vector_store %arg7[%swap3A_451, %swap3A_452], %max3A_450 {strides = array<i32>} : memref<1024x128xi32, #tpu.memory_space<vmem>>, vector<1024x1xi32>,
    %slice3A_454 = vector.extract_strided_slice %get3A_4 {offsets = [0, 1], sizes = [1024, 1], strides = [1, 1]} : vector<1024x5xi32> to vector<1024x1xi32>
    %broadcast_in_dim3A_455 = arith.constant false
    %broadcast_in_dim3A_456 = vector.broadcast %broadcast_in_dim3A_455 : i1 to vector<1024x1xi1>
    %slice3A_457 = vector.extract_strided_slice %get3A_4 {offsets = [0, 0], sizes = [1024, 1], strides = [1, 1]} : vector<1024x5xi32> to vector<1024x1xi32>
    %eq3A_458 = arith.cmpi eq, %slice3A_457, %slice3A_454 : vector<1024x1xi32>
    %or3A_459 = arith.ori %broadcast_in_dim3A_456, %eq3A_458 : vector<1024x1xi1>
    %sub3A_460 = arith.constant 1000 : i32
    %sub3A_461 = vector.broadcast %sub3A_460 : i32 to vector<1024x1xi32>
    %sub3A_462 = arith.subi %slice3A_454, %sub3A_461 : vector<1024x1xi32>
    %jit3A_463 = arith.constant -1 : i32
    %broadcast_in_dim3A_464 = vector.broadcast %jit3A_463 : i32 to vector<1024x1xi32>
    %select_n3A_465 = arith.select %or3A_459, %broadcast_in_dim3A_464, %sub3A_462 : vector<1024x1xi1>, vector<1024x1xi32>
    %convert_element_type3A_466 = arith.sitofp %select_n3A_465 : vector<1024x1xi32> to vector<1024x1xf32>
    %swap3A_467 = arith.constant 0 : index
    %swap3A_468 = arith.constant 17 : index
    %swap3A_469 = vector.load %arg6[%swap3A_467, %swap3A_468] : memref<1024x128xf32, #tpu.memory_space<vmem>>, vector<1024x1xf32>
    tpu.vector_store %arg6[%swap3A_467, %swap3A_468], %convert_element_type3A_466 {strides = array<i32>} : memref<1024x128xf32, #tpu.memory_space<vmem>>, vector<1024x1xf32>,
    %max3A_470 = arith.constant 0 : i32
    %max3A_471 = vector.broadcast %max3A_470 : i32 to vector<1024x1xi32>
    %max3A_472 = arith.maxsi %select_n3A_465, %max3A_471 : vector<1024x1xi32>
    %swap3A_473 = arith.constant 0 : index
    %swap3A_474 = arith.constant 1 : index
    %swap3A_475 = vector.load %arg7[%swap3A_473, %swap3A_474] : memref<1024x128xi32, #tpu.memory_space<vmem>>, vector<1024x1xi32>
    tpu.vector_store %arg7[%swap3A_473, %swap3A_474], %max3A_472 {strides = array<i32>} : memref<1024x128xi32, #tpu.memory_space<vmem>>, vector<1024x1xi32>,
    %slice3A_476 = vector.extract_strided_slice %get3A_4 {offsets = [0, 2], sizes = [1024, 1], strides = [1, 1]} : vector<1024x5xi32> to vector<1024x1xi32>
    %broadcast_in_dim3A_477 = arith.constant false
    %broadcast_in_dim3A_478 = vector.broadcast %broadcast_in_dim3A_477 : i1 to vector<1024x1xi1>
    %slice3A_479 = vector.extract_strided_slice %get3A_4 {offsets = [0, 0], sizes = [1024, 1], strides = [1, 1]} : vector<1024x5xi32> to vector<1024x1xi32>
    %eq3A_480 = arith.cmpi eq, %slice3A_479, %slice3A_476 : vector<1024x1xi32>
    %or3A_481 = arith.ori %broadcast_in_dim3A_478, %eq3A_480 : vector<1024x1xi1>
    %slice3A_482 = vector.extract_strided_slice %get3A_4 {offsets = [0, 1], sizes = [1024, 1], strides = [1, 1]} : vector<1024x5xi32> to vector<1024x1xi32>
    %eq3A_483 = arith.cmpi eq, %slice3A_482, %slice3A_476 : vector<1024x1xi32>
    %or3A_484 = arith.ori %or3A_481, %eq3A_483 : vector<1024x1xi1>
    %sub3A_485 = arith.constant 1000 : i32
    %sub3A_486 = vector.broadcast %sub3A_485 : i32 to vector<1024x1xi32>
    %sub3A_487 = arith.subi %slice3A_476, %sub3A_486 : vector<1024x1xi32>
    %jit3A_488 = arith.constant -1 : i32
    %broadcast_in_dim3A_489 = vector.broadcast %jit3A_488 : i32 to vector<1024x1xi32>
    %select_n3A_490 = arith.select %or3A_484, %broadcast_in_dim3A_489, %sub3A_487 : vector<1024x1xi1>, vector<1024x1xi32>
    %convert_element_type3A_491 = arith.sitofp %select_n3A_490 : vector<1024x1xi32> to vector<1024x1xf32>
    %swap3A_492 = arith.constant 0 : index
    %swap3A_493 = arith.constant 18 : index
    %swap3A_494 = vector.load %arg6[%swap3A_492, %swap3A_493] : memref<1024x128xf32, #tpu.memory_space<vmem>>, vector<1024x1xf32>
    tpu.vector_store %arg6[%swap3A_492, %swap3A_493], %convert_element_type3A_491 {strides = array<i32>} : memref<1024x128xf32, #tpu.memory_space<vmem>>, vector<1024x1xf32>,
    %max3A_495 = arith.constant 0 : i32
    %max3A_496 = vector.broadcast %max3A_495 : i32 to vector<1024x1xi32>
    %max3A_497 = arith.maxsi %select_n3A_490, %max3A_496 : vector<1024x1xi32>
    %swap3A_498 = arith.constant 0 : index
    %swap3A_499 = arith.constant 2 : index
    %swap3A_500 = vector.load %arg7[%swap3A_498, %swap3A_499] : memref<1024x128xi32, #tpu.memory_space<vmem>>, vector<1024x1xi32>
    tpu.vector_store %arg7[%swap3A_498, %swap3A_499], %max3A_497 {strides = array<i32>} : memref<1024x128xi32, #tpu.memory_space<vmem>>, vector<1024x1xi32>,
    %slice3A_501 = vector.extract_strided_slice %get3A_4 {offsets = [0, 3], sizes = [1024, 1], strides = [1, 1]} : vector<1024x5xi32> to vector<1024x1xi32>
    %broadcast_in_dim3A_502 = arith.constant false
    %broadcast_in_dim3A_503 = vector.broadcast %broadcast_in_dim3A_502 : i1 to vector<1024x1xi1>
    %slice3A_504 = vector.extract_strided_slice %get3A_4 {offsets = [0, 0], sizes = [1024, 1], strides = [1, 1]} : vector<1024x5xi32> to vector<1024x1xi32>
    %eq3A_505 = arith.cmpi eq, %slice3A_504, %slice3A_501 : vector<1024x1xi32>
    %or3A_506 = arith.ori %broadcast_in_dim3A_503, %eq3A_505 : vector<1024x1xi1>
    %slice3A_507 = vector.extract_strided_slice %get3A_4 {offsets = [0, 1], sizes = [1024, 1], strides = [1, 1]} : vector<1024x5xi32> to vector<1024x1xi32>
    %eq3A_508 = arith.cmpi eq, %slice3A_507, %slice3A_501 : vector<1024x1xi32>
    %or3A_509 = arith.ori %or3A_506, %eq3A_508 : vector<1024x1xi1>
    %slice3A_510 = vector.extract_strided_slice %get3A_4 {offsets = [0, 2], sizes = [1024, 1], strides = [1, 1]} : vector<1024x5xi32> to vector<1024x1xi32>
    %eq3A_511 = arith.cmpi eq, %slice3A_510, %slice3A_501 : vector<1024x1xi32>
    %or3A_512 = arith.ori %or3A_509, %eq3A_511 : vector<1024x1xi1>
    %sub3A_513 = arith.constant 1000 : i32
    %sub3A_514 = vector.broadcast %sub3A_513 : i32 to vector<1024x1xi32>
    %sub3A_515 = arith.subi %slice3A_501, %sub3A_514 : vector<1024x1xi32>
    %jit3A_516 = arith.constant -1 : i32
    %broadcast_in_dim3A_517 = vector.broadcast %jit3A_516 : i32 to vector<1024x1xi32>
    %select_n3A_518 = arith.select %or3A_512, %broadcast_in_dim3A_517, %sub3A_515 : vector<1024x1xi1>, vector<1024x1xi32>
    %convert_element_type3A_519 = arith.sitofp %select_n3A_518 : vector<1024x1xi32> to vector<1024x1xf32>
    %swap3A_520 = arith.constant 0 : index
    %swap3A_521 = arith.constant 19 : index
    %swap3A_522 = vector.load %arg6[%swap3A_520, %swap3A_521] : memref<1024x128xf32, #tpu.memory_space<vmem>>, vector<1024x1xf32>
    tpu.vector_store %arg6[%swap3A_520, %swap3A_521], %convert_element_type3A_519 {strides = array<i32>} : memref<1024x128xf32, #tpu.memory_space<vmem>>, vector<1024x1xf32>,
    %max3A_523 = arith.constant 0 : i32
    %max3A_524 = vector.broadcast %max3A_523 : i32 to vector<1024x1xi32>
    %max3A_525 = arith.maxsi %select_n3A_518, %max3A_524 : vector<1024x1xi32>
    %swap3A_526 = arith.constant 0 : index
    %swap3A_527 = arith.constant 3 : index
    %swap3A_528 = vector.load %arg7[%swap3A_526, %swap3A_527] : memref<1024x128xi32, #tpu.memory_space<vmem>>, vector<1024x1xi32>
    tpu.vector_store %arg7[%swap3A_526, %swap3A_527], %max3A_525 {strides = array<i32>} : memref<1024x128xi32, #tpu.memory_space<vmem>>, vector<1024x1xi32>,
    %slice3A_529 = vector.extract_strided_slice %get3A_4 {offsets = [0, 4], sizes = [1024, 1], strides = [1, 1]} : vector<1024x5xi32> to vector<1024x1xi32>
    %broadcast_in_dim3A_530 = arith.constant false
    %broadcast_in_dim3A_531 = vector.broadcast %broadcast_in_dim3A_530 : i1 to vector<1024x1xi1>
    %slice3A_532 = vector.extract_strided_slice %get3A_4 {offsets = [0, 0], sizes = [1024, 1], strides = [1, 1]} : vector<1024x5xi32> to vector<1024x1xi32>
    %eq3A_533 = arith.cmpi eq, %slice3A_532, %slice3A_529 : vector<1024x1xi32>
    %or3A_534 = arith.ori %broadcast_in_dim3A_531, %eq3A_533 : vector<1024x1xi1>
    %slice3A_535 = vector.extract_strided_slice %get3A_4 {offsets = [0, 1], sizes = [1024, 1], strides = [1, 1]} : vector<1024x5xi32> to vector<1024x1xi32>
    %eq3A_536 = arith.cmpi eq, %slice3A_535, %slice3A_529 : vector<1024x1xi32>
    %or3A_537 = arith.ori %or3A_534, %eq3A_536 : vector<1024x1xi1>
    %slice3A_538 = vector.extract_strided_slice %get3A_4 {offsets = [0, 2], sizes = [1024, 1], strides = [1, 1]} : vector<1024x5xi32> to vector<1024x1xi32>
    %eq3A_539 = arith.cmpi eq, %slice3A_538, %slice3A_529 : vector<1024x1xi32>
    %or3A_540 = arith.ori %or3A_537, %eq3A_539 : vector<1024x1xi1>
    %slice3A_541 = vector.extract_strided_slice %get3A_4 {offsets = [0, 3], sizes = [1024, 1], strides = [1, 1]} : vector<1024x5xi32> to vector<1024x1xi32>
    %eq3A_542 = arith.cmpi eq, %slice3A_541, %slice3A_529 : vector<1024x1xi32>
    %or3A_543 = arith.ori %or3A_540, %eq3A_542 : vector<1024x1xi1>
    %sub3A_544 = arith.constant 1000 : i32
    %sub3A_545 = vector.broadcast %sub3A_544 : i32 to vector<1024x1xi32>
    %sub3A_546 = arith.subi %slice3A_529, %sub3A_545 : vector<1024x1xi32>
    %jit3A_547 = arith.constant -1 : i32
    %broadcast_in_dim3A_548 = vector.broadcast %jit3A_547 : i32 to vector<1024x1xi32>
    %select_n3A_549 = arith.select %or3A_543, %broadcast_in_dim3A_548, %sub3A_546 : vector<1024x1xi1>, vector<1024x1xi32>
    %convert_element_type3A_550 = arith.sitofp %select_n3A_549 : vector<1024x1xi32> to vector<1024x1xf32>
    %swap3A_551 = arith.constant 0 : index
    %swap3A_552 = arith.constant 20 : index
    %swap3A_553 = vector.load %arg6[%swap3A_551, %swap3A_552] : memref<1024x128xf32, #tpu.memory_space<vmem>>, vector<1024x1xf32>
    tpu.vector_store %arg6[%swap3A_551, %swap3A_552], %convert_element_type3A_550 {strides = array<i32>} : memref<1024x128xf32, #tpu.memory_space<vmem>>, vector<1024x1xf32>,
    %max3A_554 = arith.constant 0 : i32
    %max3A_555 = vector.broadcast %max3A_554 : i32 to vector<1024x1xi32>
    %max3A_556 = arith.maxsi %select_n3A_549, %max3A_555 : vector<1024x1xi32>
    %swap3A_557 = arith.constant 0 : index
    %swap3A_558 = arith.constant 4 : index
    %swap3A_559 = vector.load %arg7[%swap3A_557, %swap3A_558] : memref<1024x128xi32, #tpu.memory_space<vmem>>, vector<1024x1xi32>
    tpu.vector_store %arg7[%swap3A_557, %swap3A_558], %max3A_556 {strides = array<i32>} : memref<1024x128xi32, #tpu.memory_space<vmem>>, vector<1024x1xi32>,
    return
  }
}

module attributes {stable_mosaic.version = 14 : i64} {
  func.func @_dense_body(%arg0: i32, %arg1: memref<1024x128xf32, #tpu.memory_space<vmem>>, %arg2: memref<1024x128xf32, #tpu.memory_space<vmem>>, %arg3: memref<1000x64xf32, #tpu.memory_space<vmem>>, %arg4: memref<1000x32xf32, #tpu.memory_space<vmem>>, %arg5: memref<1000x16xf32, #tpu.memory_space<vmem>>, %arg6: memref<1024x128xf32, #tpu.memory_space<vmem>>, %arg7: memref<1024x128xf32, #tpu.memory_space<vmem>>, %arg8: memref<1024x128xf32, #tpu.memory_space<vmem>>, %arg9: memref<1024x128xf32, #tpu.memory_space<vmem>>) attributes {dimension_semantics = [#tpu.dimension_semantics<arbitrary>], iteration_bounds = array<i64: 99>, scalar_prefetch = 0 : i64, scratch_operands = 3 : i64, tpu.core_type = #tpu.core_type<tc>, window_params = [{pipeline_mode = #tpu.pipeline_mode<synchronous>, transform_indices = @transform_0, window_bounds = array<i64: 1024, 128>}, {pipeline_mode = #tpu.pipeline_mode<synchronous>, transform_indices = @transform_1, window_bounds = array<i64: 1024, 128>}, {transform_indices = @transform_2, window_bounds = array<i64: 1000, 64>}, {transform_indices = @transform_3, window_bounds = array<i64: 1000, 32>}, {transform_indices = @transform_4, window_bounds = array<i64: 1000, 16>}, {pipeline_mode = #tpu.pipeline_mode<synchronous>, transform_indices = @transform_5, window_bounds = array<i64: 1024, 128>}]} {
    %eq3A = arith.constant 0 : i32
    %eq3A_0 = arith.cmpi eq, %arg0, %eq3A : i32
    %convert_element_type3A = arith.extui %eq3A_0 : i1 to i32
    %cond3A = arith.constant 0 : i32
    %cond3A_1 = arith.cmpi ne, %convert_element_type3A, %cond3A : i32
    scf.if %cond3A_1 {
      %broadcast_in_dim3A = arith.constant 0.000000e+00 : f32
      %broadcast_in_dim3A_22 = vector.broadcast %broadcast_in_dim3A : f32 to vector<1024x128xf32>
      %swap3A = arith.constant 0 : index
      %swap3A_23 = arith.constant 0 : index
      %swap3A_24 = vector.load %arg7[%swap3A, %swap3A_23] : memref<1024x128xf32, #tpu.memory_space<vmem>>, vector<1024x128xf32>
      tpu.vector_store %arg7[%swap3A, %swap3A_23], %broadcast_in_dim3A_22 {strides = array<i32>} : memref<1024x128xf32, #tpu.memory_space<vmem>>, vector<1024x128xf32>,
      %broadcast_in_dim3A_25 = arith.constant 0.000000e+00 : f32
      %broadcast_in_dim3A_26 = vector.broadcast %broadcast_in_dim3A_25 : f32 to vector<1024x128xf32>
      %swap3A_27 = arith.constant 0 : index
      %swap3A_28 = arith.constant 0 : index
      %swap3A_29 = vector.load %arg8[%swap3A_27, %swap3A_28] : memref<1024x128xf32, #tpu.memory_space<vmem>>, vector<1024x128xf32>
      tpu.vector_store %arg8[%swap3A_27, %swap3A_28], %broadcast_in_dim3A_26 {strides = array<i32>} : memref<1024x128xf32, #tpu.memory_space<vmem>>, vector<1024x128xf32>,
      %broadcast_in_dim3A_30 = arith.constant 0.000000e+00 : f32
      %broadcast_in_dim3A_31 = vector.broadcast %broadcast_in_dim3A_30 : f32 to vector<1024x128xf32>
      %swap3A_32 = arith.constant 0 : index
      %swap3A_33 = arith.constant 0 : index
      %swap3A_34 = vector.load %arg9[%swap3A_32, %swap3A_33] : memref<1024x128xf32, #tpu.memory_space<vmem>>, vector<1024x128xf32>
      tpu.vector_store %arg9[%swap3A_32, %swap3A_33], %broadcast_in_dim3A_31 {strides = array<i32>} : memref<1024x128xf32, #tpu.memory_space<vmem>>, vector<1024x128xf32>,
    } else {
    }
    %lt3A = arith.constant 9 : i32
    %lt3A_2 = arith.cmpi slt, %arg0, %lt3A : i32
    %convert_element_type3A_3 = arith.extui %lt3A_2 : i1 to i32
    %cond3A_4 = arith.constant 0 : i32
    %cond3A_5 = arith.cmpi ne, %convert_element_type3A_3, %cond3A_4 : i32
    scf.if %cond3A_5 {
      %get3A = arith.constant 0 : index
      %get3A_22 = arith.constant 0 : index
      %get3A_23 = vector.load %arg1[%get3A, %get3A_22] : memref<1024x128xf32, #tpu.memory_space<vmem>>, vector<1024x64xf32>
      %get3A_24 = arith.constant 0 : index
      %get3A_25 = arith.constant 0 : index
      %get3A_26 = vector.load %arg3[%get3A_24, %get3A_25] : memref<1000x64xf32, #tpu.memory_space<vmem>>, vector<1000x64xf32>
      %dot_general3A = arith.constant dense<0.000000e+00> : vector<1024x1000xf32>
      %dot_general3A_27 = tpu.matmul %get3A_23, %get3A_26, %dot_general3A {dimension_numbers = #tpu.dot_dimension_numbers<[1], [1], [0], [0], [0, 0, 1, 0], [], []>, transpose_lhs_hint = false} : vector<1024x64xf32>, vector<1000x64xf32>, vector<1024x1000xf32> -> vector<1024x1000xf32>
      %get3A_28 = arith.constant 0 : index
      %get3A_29 = arith.constant 5 : index
      %get3A_30 = vector.load %arg2[%get3A_28, %get3A_29] : memref<1024x128xf32, #tpu.memory_space<vmem>>, vector<1024x1xf32>
      %min3A = arith.constant 1.260000e+02 : f32
      %min3A_31 = vector.broadcast %min3A : f32 to vector<1024x1000xf32>
      %min3A_32 = arith.minimumf %dot_general3A_27, %min3A_31 : vector<1024x1000xf32>
      %exp23A = math.exp2 %min3A_32 : vector<1024x1000xf32>
      %add3A = arith.constant 1.000000e+00 : f32
      %add3A_33 = vector.broadcast %add3A : f32 to vector<1024x1000xf32>
      %add3A_34 = arith.addf %add3A_33, %exp23A : vector<1024x1000xf32>
      %log3A = math.log %add3A_34 : vector<1024x1000xf32>
      %log3A_35 = arith.constant 2.000000e+00 : f32
      %log3A_36 = math.log %log3A_35 : f32
      %div3A = vector.broadcast %log3A_36 : f32 to vector<1024x1000xf32>
      %div3A_37 = arith.divf %log3A, %div3A : vector<1024x1000xf32>
      %sub3A = vector.broadcast %get3A_30 : vector<1024x1xf32> to vector<1024x1000xf32>
      %sub3A_38 = arith.subf %add3A_34, %sub3A : vector<1024x1000xf32>
      %log3A_39 = math.log %sub3A_38 : vector<1024x1000xf32>
      %log3A_40 = arith.constant 2.000000e+00 : f32
      %log3A_41 = math.log %log3A_40 : f32
      %div3A_42 = vector.broadcast %log3A_41 : f32 to vector<1024x1000xf32>
      %div3A_43 = arith.divf %log3A_39, %div3A_42 : vector<1024x1000xf32>
      %sub3A_44 = arith.subf %div3A_37, %div3A_43 : vector<1024x1000xf32>
      %min3A_45 = arith.constant 144.269501 : f32
      %min3A_46 = vector.broadcast %min3A_45 : f32 to vector<1024x1000xf32>
      %min3A_47 = arith.minimumf %sub3A_44, %min3A_46 : vector<1024x1000xf32>
      %slice3A = vector.extract_strided_slice %min3A_47 {offsets = [0, 0], sizes = [1024, 128], strides = [1, 1]} : vector<1024x1000xf32> to vector<1024x128xf32>
      %slice3A_48 = vector.extract_strided_slice %min3A_47 {offsets = [0, 128], sizes = [1024, 128], strides = [1, 1]} : vector<1024x1000xf32> to vector<1024x128xf32>
      %add3A_49 = arith.addf %slice3A, %slice3A_48 : vector<1024x128xf32>
      %slice3A_50 = vector.extract_strided_slice %min3A_47 {offsets = [0, 256], sizes = [1024, 128], strides = [1, 1]} : vector<1024x1000xf32> to vector<1024x128xf32>
      %add3A_51 = arith.addf %add3A_49, %slice3A_50 : vector<1024x128xf32>
      %slice3A_52 = vector.extract_strided_slice %min3A_47 {offsets = [0, 384], sizes = [1024, 128], strides = [1, 1]} : vector<1024x1000xf32> to vector<1024x128xf32>
      %add3A_53 = arith.addf %add3A_51, %slice3A_52 : vector<1024x128xf32>
      %slice3A_54 = vector.extract_strided_slice %min3A_47 {offsets = [0, 512], sizes = [1024, 128], strides = [1, 1]} : vector<1024x1000xf32> to vector<1024x128xf32>
      %add3A_55 = arith.addf %add3A_53, %slice3A_54 : vector<1024x128xf32>
      %slice3A_56 = vector.extract_strided_slice %min3A_47 {offsets = [0, 640], sizes = [1024, 128], strides = [1, 1]} : vector<1024x1000xf32> to vector<1024x128xf32>
      %add3A_57 = arith.addf %add3A_55, %slice3A_56 : vector<1024x128xf32>
      %slice3A_58 = vector.extract_strided_slice %min3A_47 {offsets = [0, 768], sizes = [1024, 128], strides = [1, 1]} : vector<1024x1000xf32> to vector<1024x128xf32>
      %add3A_59 = arith.addf %add3A_57, %slice3A_58 : vector<1024x128xf32>
      %get3A_60 = arith.constant 0 : index
      %get3A_61 = arith.constant 0 : index
      %get3A_62 = vector.load %arg7[%get3A_60, %get3A_61] : memref<1024x128xf32, #tpu.memory_space<vmem>>, vector<1024x128xf32>
      %add3A_63 = arith.addf %get3A_62, %add3A_59 : vector<1024x128xf32>
      %swap3A = arith.constant 0 : index
      %swap3A_64 = arith.constant 0 : index
      %swap3A_65 = vector.load %arg7[%swap3A, %swap3A_64] : memref<1024x128xf32, #tpu.memory_space<vmem>>, vector<1024x128xf32>
      tpu.vector_store %arg7[%swap3A, %swap3A_64], %add3A_63 {strides = array<i32>} : memref<1024x128xf32, #tpu.memory_space<vmem>>, vector<1024x128xf32>,
      %get3A_66 = arith.constant 0 : index
      %get3A_67 = arith.constant 0 : index
      %get3A_68 = vector.load %arg7[%get3A_66, %get3A_67] : memref<1024x128xf32, #tpu.memory_space<vmem>>, vector<1024x104xf32>
      %slice3A_69 = vector.extract_strided_slice %min3A_47 {offsets = [0, 896], sizes = [1024, 104], strides = [1, 1]} : vector<1024x1000xf32> to vector<1024x104xf32>
      %add3A_70 = arith.addf %get3A_68, %slice3A_69 : vector<1024x104xf32>
      %swap3A_71 = arith.constant 0 : index
      %swap3A_72 = arith.constant 0 : index
      %swap3A_73 = vector.load %arg7[%swap3A_71, %swap3A_72] : memref<1024x128xf32, #tpu.memory_space<vmem>>, vector<1024x104xf32>
      tpu.vector_store %arg7[%swap3A_71, %swap3A_72], %add3A_70 {strides = array<i32>} : memref<1024x128xf32, #tpu.memory_space<vmem>>, vector<1024x104xf32>,
    } else {
    }
    %ge3A = arith.constant 9 : i32
    %ge3A_6 = arith.cmpi sge, %arg0, %ge3A : i32
    %lt3A_7 = arith.constant 39 : i32
    %lt3A_8 = arith.cmpi slt, %arg0, %lt3A_7 : i32
    %and3A = arith.andi %ge3A_6, %lt3A_8 : i1
    %convert_element_type3A_9 = arith.extui %and3A : i1 to i32
    %cond3A_10 = arith.constant 0 : i32
    %cond3A_11 = arith.cmpi ne, %convert_element_type3A_9, %cond3A_10 : i32
    scf.if %cond3A_11 {
      %get3A = arith.constant 0 : index
      %get3A_22 = arith.constant 64 : index
      %get3A_23 = vector.load %arg1[%get3A, %get3A_22] : memref<1024x128xf32, #tpu.memory_space<vmem>>, vector<1024x32xf32>
      %get3A_24 = arith.constant 0 : index
      %get3A_25 = arith.constant 0 : index
      %get3A_26 = vector.load %arg4[%get3A_24, %get3A_25] : memref<1000x32xf32, #tpu.memory_space<vmem>>, vector<1000x32xf32>
      %dot_general3A = arith.constant dense<0.000000e+00> : vector<1024x1000xf32>
      %dot_general3A_27 = tpu.matmul %get3A_23, %get3A_26, %dot_general3A {dimension_numbers = #tpu.dot_dimension_numbers<[1], [1], [0], [0], [0, 0, 1, 0], [], []>, transpose_lhs_hint = false} : vector<1024x32xf32>, vector<1000x32xf32>, vector<1024x1000xf32> -> vector<1024x1000xf32>
      %get3A_28 = arith.constant 0 : index
      %get3A_29 = arith.constant 6 : index
      %get3A_30 = vector.load %arg2[%get3A_28, %get3A_29] : memref<1024x128xf32, #tpu.memory_space<vmem>>, vector<1024x1xf32>
      %min3A = arith.constant 1.260000e+02 : f32
      %min3A_31 = vector.broadcast %min3A : f32 to vector<1024x1000xf32>
      %min3A_32 = arith.minimumf %dot_general3A_27, %min3A_31 : vector<1024x1000xf32>
      %exp23A = math.exp2 %min3A_32 : vector<1024x1000xf32>
      %add3A = arith.constant 1.000000e+00 : f32
      %add3A_33 = vector.broadcast %add3A : f32 to vector<1024x1000xf32>
      %add3A_34 = arith.addf %add3A_33, %exp23A : vector<1024x1000xf32>
      %log3A = math.log %add3A_34 : vector<1024x1000xf32>
      %log3A_35 = arith.constant 2.000000e+00 : f32
      %log3A_36 = math.log %log3A_35 : f32
      %div3A = vector.broadcast %log3A_36 : f32 to vector<1024x1000xf32>
      %div3A_37 = arith.divf %log3A, %div3A : vector<1024x1000xf32>
      %sub3A = vector.broadcast %get3A_30 : vector<1024x1xf32> to vector<1024x1000xf32>
      %sub3A_38 = arith.subf %add3A_34, %sub3A : vector<1024x1000xf32>
      %log3A_39 = math.log %sub3A_38 : vector<1024x1000xf32>
      %log3A_40 = arith.constant 2.000000e+00 : f32
      %log3A_41 = math.log %log3A_40 : f32
      %div3A_42 = vector.broadcast %log3A_41 : f32 to vector<1024x1000xf32>
      %div3A_43 = arith.divf %log3A_39, %div3A_42 : vector<1024x1000xf32>
      %sub3A_44 = arith.subf %div3A_37, %div3A_43 : vector<1024x1000xf32>
      %min3A_45 = arith.constant 144.269501 : f32
      %min3A_46 = vector.broadcast %min3A_45 : f32 to vector<1024x1000xf32>
      %min3A_47 = arith.minimumf %sub3A_44, %min3A_46 : vector<1024x1000xf32>
      %slice3A = vector.extract_strided_slice %min3A_47 {offsets = [0, 0], sizes = [1024, 128], strides = [1, 1]} : vector<1024x1000xf32> to vector<1024x128xf32>
      %slice3A_48 = vector.extract_strided_slice %min3A_47 {offsets = [0, 128], sizes = [1024, 128], strides = [1, 1]} : vector<1024x1000xf32> to vector<1024x128xf32>
      %add3A_49 = arith.addf %slice3A, %slice3A_48 : vector<1024x128xf32>
      %slice3A_50 = vector.extract_strided_slice %min3A_47 {offsets = [0, 256], sizes = [1024, 128], strides = [1, 1]} : vector<1024x1000xf32> to vector<1024x128xf32>
      %add3A_51 = arith.addf %add3A_49, %slice3A_50 : vector<1024x128xf32>
      %slice3A_52 = vector.extract_strided_slice %min3A_47 {offsets = [0, 384], sizes = [1024, 128], strides = [1, 1]} : vector<1024x1000xf32> to vector<1024x128xf32>
      %add3A_53 = arith.addf %add3A_51, %slice3A_52 : vector<1024x128xf32>
      %slice3A_54 = vector.extract_strided_slice %min3A_47 {offsets = [0, 512], sizes = [1024, 128], strides = [1, 1]} : vector<1024x1000xf32> to vector<1024x128xf32>
      %add3A_55 = arith.addf %add3A_53, %slice3A_54 : vector<1024x128xf32>
      %slice3A_56 = vector.extract_strided_slice %min3A_47 {offsets = [0, 640], sizes = [1024, 128], strides = [1, 1]} : vector<1024x1000xf32> to vector<1024x128xf32>
      %add3A_57 = arith.addf %add3A_55, %slice3A_56 : vector<1024x128xf32>
      %slice3A_58 = vector.extract_strided_slice %min3A_47 {offsets = [0, 768], sizes = [1024, 128], strides = [1, 1]} : vector<1024x1000xf32> to vector<1024x128xf32>
      %add3A_59 = arith.addf %add3A_57, %slice3A_58 : vector<1024x128xf32>
      %get3A_60 = arith.constant 0 : index
      %get3A_61 = arith.constant 0 : index
      %get3A_62 = vector.load %arg8[%get3A_60, %get3A_61] : memref<1024x128xf32, #tpu.memory_space<vmem>>, vector<1024x128xf32>
      %add3A_63 = arith.addf %get3A_62, %add3A_59 : vector<1024x128xf32>
      %swap3A = arith.constant 0 : index
      %swap3A_64 = arith.constant 0 : index
      %swap3A_65 = vector.load %arg8[%swap3A, %swap3A_64] : memref<1024x128xf32, #tpu.memory_space<vmem>>, vector<1024x128xf32>
      tpu.vector_store %arg8[%swap3A, %swap3A_64], %add3A_63 {strides = array<i32>} : memref<1024x128xf32, #tpu.memory_space<vmem>>, vector<1024x128xf32>,
      %get3A_66 = arith.constant 0 : index
      %get3A_67 = arith.constant 0 : index
      %get3A_68 = vector.load %arg8[%get3A_66, %get3A_67] : memref<1024x128xf32, #tpu.memory_space<vmem>>, vector<1024x104xf32>
      %slice3A_69 = vector.extract_strided_slice %min3A_47 {offsets = [0, 896], sizes = [1024, 104], strides = [1, 1]} : vector<1024x1000xf32> to vector<1024x104xf32>
      %add3A_70 = arith.addf %get3A_68, %slice3A_69 : vector<1024x104xf32>
      %swap3A_71 = arith.constant 0 : index
      %swap3A_72 = arith.constant 0 : index
      %swap3A_73 = vector.load %arg8[%swap3A_71, %swap3A_72] : memref<1024x128xf32, #tpu.memory_space<vmem>>, vector<1024x104xf32>
      tpu.vector_store %arg8[%swap3A_71, %swap3A_72], %add3A_70 {strides = array<i32>} : memref<1024x128xf32, #tpu.memory_space<vmem>>, vector<1024x104xf32>,
    } else {
    }
    %ge3A_12 = arith.constant 39 : i32
    %ge3A_13 = arith.cmpi sge, %arg0, %ge3A_12 : i32
    %convert_element_type3A_14 = arith.extui %ge3A_13 : i1 to i32
    %cond3A_15 = arith.constant 0 : i32
    %cond3A_16 = arith.cmpi ne, %convert_element_type3A_14, %cond3A_15 : i32
    scf.if %cond3A_16 {
      %get3A = arith.constant 0 : index
      %get3A_22 = arith.constant 96 : index
      %get3A_23 = vector.load %arg1[%get3A, %get3A_22] : memref<1024x128xf32, #tpu.memory_space<vmem>>, vector<1024x16xf32>
      %get3A_24 = arith.constant 0 : index
      %get3A_25 = arith.constant 0 : index
      %get3A_26 = vector.load %arg5[%get3A_24, %get3A_25] : memref<1000x16xf32, #tpu.memory_space<vmem>>, vector<1000x16xf32>
      %dot_general3A = arith.constant dense<0.000000e+00> : vector<1024x1000xf32>
      %dot_general3A_27 = tpu.matmul %get3A_23, %get3A_26, %dot_general3A {dimension_numbers = #tpu.dot_dimension_numbers<[1], [1], [0], [0], [0, 0, 1, 0], [], []>, transpose_lhs_hint = false} : vector<1024x16xf32>, vector<1000x16xf32>, vector<1024x1000xf32> -> vector<1024x1000xf32>
      %get3A_28 = arith.constant 0 : index
      %get3A_29 = arith.constant 7 : index
      %get3A_30 = vector.load %arg2[%get3A_28, %get3A_29] : memref<1024x128xf32, #tpu.memory_space<vmem>>, vector<1024x1xf32>
      %min3A = arith.constant 1.260000e+02 : f32
      %min3A_31 = vector.broadcast %min3A : f32 to vector<1024x1000xf32>
      %min3A_32 = arith.minimumf %dot_general3A_27, %min3A_31 : vector<1024x1000xf32>
      %exp23A = math.exp2 %min3A_32 : vector<1024x1000xf32>
      %add3A = arith.constant 1.000000e+00 : f32
      %add3A_33 = vector.broadcast %add3A : f32 to vector<1024x1000xf32>
      %add3A_34 = arith.addf %add3A_33, %exp23A : vector<1024x1000xf32>
      %log3A = math.log %add3A_34 : vector<1024x1000xf32>
      %log3A_35 = arith.constant 2.000000e+00 : f32
      %log3A_36 = math.log %log3A_35 : f32
      %div3A = vector.broadcast %log3A_36 : f32 to vector<1024x1000xf32>
      %div3A_37 = arith.divf %log3A, %div3A : vector<1024x1000xf32>
      %sub3A = vector.broadcast %get3A_30 : vector<1024x1xf32> to vector<1024x1000xf32>
      %sub3A_38 = arith.subf %add3A_34, %sub3A : vector<1024x1000xf32>
      %log3A_39 = math.log %sub3A_38 : vector<1024x1000xf32>
      %log3A_40 = arith.constant 2.000000e+00 : f32
      %log3A_41 = math.log %log3A_40 : f32
      %div3A_42 = vector.broadcast %log3A_41 : f32 to vector<1024x1000xf32>
      %div3A_43 = arith.divf %log3A_39, %div3A_42 : vector<1024x1000xf32>
      %sub3A_44 = arith.subf %div3A_37, %div3A_43 : vector<1024x1000xf32>
      %min3A_45 = arith.constant 144.269501 : f32
      %min3A_46 = vector.broadcast %min3A_45 : f32 to vector<1024x1000xf32>
      %min3A_47 = arith.minimumf %sub3A_44, %min3A_46 : vector<1024x1000xf32>
      %slice3A = vector.extract_strided_slice %min3A_47 {offsets = [0, 0], sizes = [1024, 128], strides = [1, 1]} : vector<1024x1000xf32> to vector<1024x128xf32>
      %slice3A_48 = vector.extract_strided_slice %min3A_47 {offsets = [0, 128], sizes = [1024, 128], strides = [1, 1]} : vector<1024x1000xf32> to vector<1024x128xf32>
      %add3A_49 = arith.addf %slice3A, %slice3A_48 : vector<1024x128xf32>
      %slice3A_50 = vector.extract_strided_slice %min3A_47 {offsets = [0, 256], sizes = [1024, 128], strides = [1, 1]} : vector<1024x1000xf32> to vector<1024x128xf32>
      %add3A_51 = arith.addf %add3A_49, %slice3A_50 : vector<1024x128xf32>
      %slice3A_52 = vector.extract_strided_slice %min3A_47 {offsets = [0, 384], sizes = [1024, 128], strides = [1, 1]} : vector<1024x1000xf32> to vector<1024x128xf32>
      %add3A_53 = arith.addf %add3A_51, %slice3A_52 : vector<1024x128xf32>
      %slice3A_54 = vector.extract_strided_slice %min3A_47 {offsets = [0, 512], sizes = [1024, 128], strides = [1, 1]} : vector<1024x1000xf32> to vector<1024x128xf32>
      %add3A_55 = arith.addf %add3A_53, %slice3A_54 : vector<1024x128xf32>
      %slice3A_56 = vector.extract_strided_slice %min3A_47 {offsets = [0, 640], sizes = [1024, 128], strides = [1, 1]} : vector<1024x1000xf32> to vector<1024x128xf32>
      %add3A_57 = arith.addf %add3A_55, %slice3A_56 : vector<1024x128xf32>
      %slice3A_58 = vector.extract_strided_slice %min3A_47 {offsets = [0, 768], sizes = [1024, 128], strides = [1, 1]} : vector<1024x1000xf32> to vector<1024x128xf32>
      %add3A_59 = arith.addf %add3A_57, %slice3A_58 : vector<1024x128xf32>
      %get3A_60 = arith.constant 0 : index
      %get3A_61 = arith.constant 0 : index
      %get3A_62 = vector.load %arg9[%get3A_60, %get3A_61] : memref<1024x128xf32, #tpu.memory_space<vmem>>, vector<1024x128xf32>
      %add3A_63 = arith.addf %get3A_62, %add3A_59 : vector<1024x128xf32>
      %swap3A = arith.constant 0 : index
      %swap3A_64 = arith.constant 0 : index
      %swap3A_65 = vector.load %arg9[%swap3A, %swap3A_64] : memref<1024x128xf32, #tpu.memory_space<vmem>>, vector<1024x128xf32>
      tpu.vector_store %arg9[%swap3A, %swap3A_64], %add3A_63 {strides = array<i32>} : memref<1024x128xf32, #tpu.memory_space<vmem>>, vector<1024x128xf32>,
      %get3A_66 = arith.constant 0 : index
      %get3A_67 = arith.constant 0 : index
      %get3A_68 = vector.load %arg9[%get3A_66, %get3A_67] : memref<1024x128xf32, #tpu.memory_space<vmem>>, vector<1024x104xf32>
      %slice3A_69 = vector.extract_strided_slice %min3A_47 {offsets = [0, 896], sizes = [1024, 104], strides = [1, 1]} : vector<1024x1000xf32> to vector<1024x104xf32>
      %add3A_70 = arith.addf %get3A_68, %slice3A_69 : vector<1024x104xf32>
      %swap3A_71 = arith.constant 0 : index
      %swap3A_72 = arith.constant 0 : index
      %swap3A_73 = vector.load %arg9[%swap3A_71, %swap3A_72] : memref<1024x128xf32, #tpu.memory_space<vmem>>, vector<1024x104xf32>
      tpu.vector_store %arg9[%swap3A_71, %swap3A_72], %add3A_70 {strides = array<i32>} : memref<1024x128xf32, #tpu.memory_space<vmem>>, vector<1024x104xf32>,
    } else {
    }
    %eq3A_17 = arith.constant 98 : i32
    %eq3A_18 = arith.cmpi eq, %arg0, %eq3A_17 : i32
    %convert_element_type3A_19 = arith.extui %eq3A_18 : i1 to i32
    %cond3A_20 = arith.constant 0 : i32
    %cond3A_21 = arith.cmpi ne, %convert_element_type3A_19, %cond3A_20 : i32
    scf.if %cond3A_21 {
      %get3A = arith.constant 0 : index
      %get3A_22 = arith.constant 0 : index
      %get3A_23 = vector.load %arg7[%get3A, %get3A_22] : memref<1024x128xf32, #tpu.memory_space<vmem>>, vector<1024x128xf32>
      %reduce_sum3A = arith.constant dense<0.000000e+00> : vector<1024xf32>
      %reduce_sum3A_24 = vector.multi_reduction <add>, %get3A_23, %reduce_sum3A [1] : vector<1024x128xf32> to vector<1024xf32>
      %broadcast_in_dim3A = vector.shape_cast %reduce_sum3A_24 : vector<1024xf32> to vector<1024x1xf32>
      %mul3A = arith.constant 0.693147182 : f32
      %mul3A_25 = vector.broadcast %mul3A : f32 to vector<1024x1xf32>
      %mul3A_26 = arith.mulf %broadcast_in_dim3A, %mul3A_25 : vector<1024x1xf32>
      %swap3A = arith.constant 0 : index
      %swap3A_27 = arith.constant 0 : index
      %swap3A_28 = vector.load %arg6[%swap3A, %swap3A_27] : memref<1024x128xf32, #tpu.memory_space<vmem>>, vector<1024x1xf32>
      tpu.vector_store %arg6[%swap3A, %swap3A_27], %mul3A_26 {strides = array<i32>} : memref<1024x128xf32, #tpu.memory_space<vmem>>, vector<1024x1xf32>,
      %get3A_29 = arith.constant 0 : index
      %get3A_30 = arith.constant 0 : index
      %get3A_31 = vector.load %arg8[%get3A_29, %get3A_30] : memref<1024x128xf32, #tpu.memory_space<vmem>>, vector<1024x128xf32>
      %reduce_sum3A_32 = arith.constant dense<0.000000e+00> : vector<1024xf32>
      %reduce_sum3A_33 = vector.multi_reduction <add>, %get3A_31, %reduce_sum3A_32 [1] : vector<1024x128xf32> to vector<1024xf32>
      %broadcast_in_dim3A_34 = vector.shape_cast %reduce_sum3A_33 : vector<1024xf32> to vector<1024x1xf32>
      %mul3A_35 = arith.constant 0.693147182 : f32
      %mul3A_36 = vector.broadcast %mul3A_35 : f32 to vector<1024x1xf32>
      %mul3A_37 = arith.mulf %broadcast_in_dim3A_34, %mul3A_36 : vector<1024x1xf32>
      %swap3A_38 = arith.constant 0 : index
      %swap3A_39 = arith.constant 1 : index
      %swap3A_40 = vector.load %arg6[%swap3A_38, %swap3A_39] : memref<1024x128xf32, #tpu.memory_space<vmem>>, vector<1024x1xf32>
      tpu.vector_store %arg6[%swap3A_38, %swap3A_39], %mul3A_37 {strides = array<i32>} : memref<1024x128xf32, #tpu.memory_space<vmem>>, vector<1024x1xf32>,
      %get3A_41 = arith.constant 0 : index
      %get3A_42 = arith.constant 0 : index
      %get3A_43 = vector.load %arg9[%get3A_41, %get3A_42] : memref<1024x128xf32, #tpu.memory_space<vmem>>, vector<1024x128xf32>
      %reduce_sum3A_44 = arith.constant dense<0.000000e+00> : vector<1024xf32>
      %reduce_sum3A_45 = vector.multi_reduction <add>, %get3A_43, %reduce_sum3A_44 [1] : vector<1024x128xf32> to vector<1024xf32>
      %broadcast_in_dim3A_46 = vector.shape_cast %reduce_sum3A_45 : vector<1024xf32> to vector<1024x1xf32>
      %mul3A_47 = arith.constant 0.693147182 : f32
      %mul3A_48 = vector.broadcast %mul3A_47 : f32 to vector<1024x1xf32>
      %mul3A_49 = arith.mulf %broadcast_in_dim3A_46, %mul3A_48 : vector<1024x1xf32>
      %swap3A_50 = arith.constant 0 : index
      %swap3A_51 = arith.constant 2 : index
      %swap3A_52 = vector.load %arg6[%swap3A_50, %swap3A_51] : memref<1024x128xf32, #tpu.memory_space<vmem>>, vector<1024x1xf32>
      tpu.vector_store %arg6[%swap3A_50, %swap3A_51], %mul3A_49 {strides = array<i32>} : memref<1024x128xf32, #tpu.memory_space<vmem>>, vector<1024x1xf32>,
    } else {
    }
    return
  }
  func.func @transform_0(%arg0: i32) -> (i32, i32) {
    %c0_i32 = arith.constant 0 : i32
    %c0_i32_0 = arith.constant 0 : i32
    %c0_i32_1 = arith.constant 0 : i32
    return %c0_i32, %c0_i32_0 : i32, i32
  }
  func.func @transform_1(%arg0: i32) -> (i32, i32) {
    %c0_i32 = arith.constant 0 : i32
    %c0_i32_0 = arith.constant 0 : i32
    %c0_i32_1 = arith.constant 0 : i32
    return %c0_i32, %c0_i32_0 : i32, i32
  }
  func.func @transform_2(%arg0: i32) -> (i32, i32) {
    %jit3A = arith.constant 0 : i32
    %jit3A_0 = arith.constant 8 : i32
    %max3A = arith.maxsi %jit3A, %arg0 : i32
    %min3A = arith.minsi %jit3A_0, %max3A : i32
    %c0_i32 = arith.constant 0 : i32
    %c0_i32_1 = arith.constant 0 : i32
    return %min3A, %c0_i32 : i32, i32
  }
  func.func @transform_3(%arg0: i32) -> (i32, i32) {
    %sub3A = arith.constant 9 : i32
    %sub3A_0 = arith.subi %arg0, %sub3A : i32
    %jit3A = arith.constant 0 : i32
    %jit3A_1 = arith.constant 29 : i32
    %max3A = arith.maxsi %jit3A, %sub3A_0 : i32
    %min3A = arith.minsi %jit3A_1, %max3A : i32
    %c0_i32 = arith.constant 0 : i32
    %c0_i32_2 = arith.constant 0 : i32
    return %min3A, %c0_i32 : i32, i32
  }
  func.func @transform_4(%arg0: i32) -> (i32, i32) {
    %sub3A = arith.constant 39 : i32
    %sub3A_0 = arith.subi %arg0, %sub3A : i32
    %jit3A = arith.constant 0 : i32
    %jit3A_1 = arith.constant 59 : i32
    %max3A = arith.maxsi %jit3A, %sub3A_0 : i32
    %min3A = arith.minsi %jit3A_1, %max3A : i32
    %c0_i32 = arith.constant 0 : i32
    %c0_i32_2 = arith.constant 0 : i32
    return %min3A, %c0_i32 : i32, i32
  }
  func.func @transform_5(%arg0: i32) -> (i32, i32) {
    %c0_i32 = arith.constant 0 : i32
    %c0_i32_0 = arith.constant 0 : i32
    %c0_i32_1 = arith.constant 0 : i32
    return %c0_i32, %c0_i32_0 : i32, i32
  }
}

module attributes {stable_mosaic.version = 14 : i64} {
  func.func @_combine_body(%arg0: memref<1024x128xf32, #tpu.memory_space<vmem>>, %arg1: memref<1024x128xf32, #tpu.memory_space<vmem>>, %arg2: memref<1024x128xf32, #tpu.memory_space<vmem>>, %arg3: memref<1024x128xf32, #tpu.memory_space<vmem>>, %arg4: memref<1024x128xf32, #tpu.memory_space<vmem>>, %arg5: memref<1024x128xf32, #tpu.memory_space<vmem>>, %arg6: memref<1024x128xf32, #tpu.memory_space<vmem>>, %arg7: memref<1024x128xf32, #tpu.memory_space<vmem>>, %arg8: memref<8x128xf32, #tpu.memory_space<vmem>>) attributes {dimension_semantics = [], scalar_prefetch = 0 : i64, scratch_operands = 0 : i64, tpu.core_type = #tpu.core_type<tc>} {
    %get3A = arith.constant 0 : index
    %get3A_0 = arith.constant 16 : index
    %get3A_1 = vector.load %arg0[%get3A, %get3A_0] : memref<1024x128xf32, #tpu.memory_space<vmem>>, vector<1024x5xf32>
    %ge3A = arith.constant 0.000000e+00 : f32
    %ge3A_2 = vector.broadcast %ge3A : f32 to vector<1024x5xf32>
    %ge3A_3 = arith.cmpf oge, %get3A_1, %ge3A_2 : vector<1024x5xf32>
    %broadcast_in_dim3A = arith.constant 0.000000e+00 : f32
    %broadcast_in_dim3A_4 = vector.broadcast %broadcast_in_dim3A : f32 to vector<1024x1xf32>
    %get3A_5 = arith.constant 0 : index
    %get3A_6 = arith.constant 5 : index
    %get3A_7 = vector.load %arg0[%get3A_5, %get3A_6] : memref<1024x128xf32, #tpu.memory_space<vmem>>, vector<1024x1xf32>
    %get3A_8 = arith.constant 0 : index
    %get3A_9 = arith.constant 6 : index
    %get3A_10 = vector.load %arg0[%get3A_8, %get3A_9] : memref<1024x128xf32, #tpu.memory_space<vmem>>, vector<1024x1xf32>
    %get3A_11 = arith.constant 0 : index
    %get3A_12 = arith.constant 7 : index
    %get3A_13 = vector.load %arg0[%get3A_11, %get3A_12] : memref<1024x128xf32, #tpu.memory_space<vmem>>, vector<1024x1xf32>
    %get3A_14 = arith.constant 0 : index
    %get3A_15 = arith.constant 2 : index
    %get3A_16 = vector.load %arg0[%get3A_14, %get3A_15] : memref<1024x128xf32, #tpu.memory_space<vmem>>, vector<1024x1xf32>
    %get3A_17 = arith.constant 0 : index
    %get3A_18 = arith.constant 0 : index
    %get3A_19 = vector.load %arg1[%get3A_17, %get3A_18] : memref<1024x128xf32, #tpu.memory_space<vmem>>, vector<1024x1xf32>
    %mul3A = arith.mulf %get3A_16, %get3A_19 : vector<1024x1xf32>
    %add3A = arith.addf %broadcast_in_dim3A_4, %mul3A : vector<1024x1xf32>
    %get3A_20 = arith.constant 0 : index
    %get3A_21 = arith.constant 3 : index
    %get3A_22 = vector.load %arg0[%get3A_20, %get3A_21] : memref<1024x128xf32, #tpu.memory_space<vmem>>, vector<1024x1xf32>
    %get3A_23 = arith.constant 0 : index
    %get3A_24 = arith.constant 1 : index
    %get3A_25 = vector.load %arg1[%get3A_23, %get3A_24] : memref<1024x128xf32, #tpu.memory_space<vmem>>, vector<1024x1xf32>
    %mul3A_26 = arith.mulf %get3A_22, %get3A_25 : vector<1024x1xf32>
    %add3A_27 = arith.addf %add3A, %mul3A_26 : vector<1024x1xf32>
    %get3A_28 = arith.constant 0 : index
    %get3A_29 = arith.constant 4 : index
    %get3A_30 = vector.load %arg0[%get3A_28, %get3A_29] : memref<1024x128xf32, #tpu.memory_space<vmem>>, vector<1024x1xf32>
    %get3A_31 = arith.constant 0 : index
    %get3A_32 = arith.constant 2 : index
    %get3A_33 = vector.load %arg1[%get3A_31, %get3A_32] : memref<1024x128xf32, #tpu.memory_space<vmem>>, vector<1024x1xf32>
    %mul3A_34 = arith.mulf %get3A_30, %get3A_33 : vector<1024x1xf32>
    %add3A_35 = arith.addf %add3A_27, %mul3A_34 : vector<1024x1xf32>
    %ge3A_36 = arith.constant 3.900000e+04 : f32
    %ge3A_37 = vector.broadcast %ge3A_36 : f32 to vector<1024x5xf32>
    %ge3A_38 = arith.cmpf oge, %get3A_1, %ge3A_37 : vector<1024x5xf32>
    %ge3A_39 = arith.constant 9.000000e+03 : f32
    %ge3A_40 = vector.broadcast %ge3A_39 : f32 to vector<1024x5xf32>
    %ge3A_41 = arith.cmpf oge, %get3A_1, %ge3A_40 : vector<1024x5xf32>
    %broadcast_in_dim3A_42 = vector.shape_cast %get3A_10 : vector<1024x1xf32> to vector<1024x1xf32>
    %broadcast_in_dim3A_43 = vector.broadcast %broadcast_in_dim3A_42 : vector<1024x1xf32> to vector<1024x5xf32>
    %broadcast_in_dim3A_44 = vector.shape_cast %get3A_7 : vector<1024x1xf32> to vector<1024x1xf32>
    %broadcast_in_dim3A_45 = vector.broadcast %broadcast_in_dim3A_44 : vector<1024x1xf32> to vector<1024x5xf32>
    %select_n3A = arith.select %ge3A_41, %broadcast_in_dim3A_43, %broadcast_in_dim3A_45 : vector<1024x5xi1>, vector<1024x5xf32>
    %broadcast_in_dim3A_46 = vector.shape_cast %get3A_13 : vector<1024x1xf32> to vector<1024x1xf32>
    %broadcast_in_dim3A_47 = vector.broadcast %broadcast_in_dim3A_46 : vector<1024x1xf32> to vector<1024x5xf32>
    %select_n3A_48 = arith.select %ge3A_38, %broadcast_in_dim3A_47, %select_n3A : vector<1024x5xi1>, vector<1024x5xf32>
    %get3A_49 = arith.constant 0 : index
    %get3A_50 = arith.constant 0 : index
    %get3A_51 = vector.load %arg2[%get3A_49, %get3A_50] : memref<1024x128xf32, #tpu.memory_space<vmem>>, vector<1024x128xf32>
    %get3A_52 = arith.constant 0 : index
    %get3A_53 = arith.constant 0 : index
    %get3A_54 = vector.load %arg3[%get3A_52, %get3A_53] : memref<1024x128xf32, #tpu.memory_space<vmem>>, vector<1024x128xf32>
    %mul3A_55 = arith.mulf %get3A_54, %get3A_51 : vector<1024x128xf32>
    %reduce_sum3A = arith.constant dense<0.000000e+00> : vector<1024xf32>
    %reduce_sum3A_56 = vector.multi_reduction <add>, %mul3A_55, %reduce_sum3A [1] : vector<1024x128xf32> to vector<1024xf32>
    %broadcast_in_dim3A_57 = vector.shape_cast %reduce_sum3A_56 : vector<1024xf32> to vector<1024x1xf32>
    %get3A_58 = arith.constant 0 : index
    %get3A_59 = arith.constant 0 : index
    %get3A_60 = vector.load %arg4[%get3A_58, %get3A_59] : memref<1024x128xf32, #tpu.memory_space<vmem>>, vector<1024x128xf32>
    %mul3A_61 = arith.mulf %get3A_60, %get3A_51 : vector<1024x128xf32>
    %reduce_sum3A_62 = arith.constant dense<0.000000e+00> : vector<1024xf32>
    %reduce_sum3A_63 = vector.multi_reduction <add>, %mul3A_61, %reduce_sum3A_62 [1] : vector<1024x128xf32> to vector<1024xf32>
    %broadcast_in_dim3A_64 = vector.shape_cast %reduce_sum3A_63 : vector<1024xf32> to vector<1024x1xf32>
    %get3A_65 = arith.constant 0 : index
    %get3A_66 = arith.constant 0 : index
    %get3A_67 = vector.load %arg5[%get3A_65, %get3A_66] : memref<1024x128xf32, #tpu.memory_space<vmem>>, vector<1024x128xf32>
    %mul3A_68 = arith.mulf %get3A_67, %get3A_51 : vector<1024x128xf32>
    %reduce_sum3A_69 = arith.constant dense<0.000000e+00> : vector<1024xf32>
    %reduce_sum3A_70 = vector.multi_reduction <add>, %mul3A_68, %reduce_sum3A_69 [1] : vector<1024x128xf32> to vector<1024xf32>
    %broadcast_in_dim3A_71 = vector.shape_cast %reduce_sum3A_70 : vector<1024xf32> to vector<1024x1xf32>
    %get3A_72 = arith.constant 0 : index
    %get3A_73 = arith.constant 0 : index
    %get3A_74 = vector.load %arg6[%get3A_72, %get3A_73] : memref<1024x128xf32, #tpu.memory_space<vmem>>, vector<1024x128xf32>
    %mul3A_75 = arith.mulf %get3A_74, %get3A_51 : vector<1024x128xf32>
    %reduce_sum3A_76 = arith.constant dense<0.000000e+00> : vector<1024xf32>
    %reduce_sum3A_77 = vector.multi_reduction <add>, %mul3A_75, %reduce_sum3A_76 [1] : vector<1024x128xf32> to vector<1024xf32>
    %broadcast_in_dim3A_78 = vector.shape_cast %reduce_sum3A_77 : vector<1024xf32> to vector<1024x1xf32>
    %get3A_79 = arith.constant 0 : index
    %get3A_80 = arith.constant 0 : index
    %get3A_81 = vector.load %arg7[%get3A_79, %get3A_80] : memref<1024x128xf32, #tpu.memory_space<vmem>>, vector<1024x128xf32>
    %mul3A_82 = arith.mulf %get3A_81, %get3A_51 : vector<1024x128xf32>
    %reduce_sum3A_83 = arith.constant dense<0.000000e+00> : vector<1024xf32>
    %reduce_sum3A_84 = vector.multi_reduction <add>, %mul3A_82, %reduce_sum3A_83 [1] : vector<1024x128xf32> to vector<1024xf32>
    %broadcast_in_dim3A_85 = vector.shape_cast %reduce_sum3A_84 : vector<1024xf32> to vector<1024x1xf32>
    %concatenate3A = tpu.concatenate %broadcast_in_dim3A_57, %broadcast_in_dim3A_64, %broadcast_in_dim3A_71, %broadcast_in_dim3A_78, %broadcast_in_dim3A_85 in 1 : vector<1024x1xf32>, vector<1024x1xf32>, vector<1024x1xf32>, vector<1024x1xf32>, vector<1024x1xf32> -> vector<1024x5xf32>
    %min3A = arith.constant 1.260000e+02 : f32
    %min3A_86 = vector.broadcast %min3A : f32 to vector<1024x5xf32>
    %min3A_87 = arith.minimumf %concatenate3A, %min3A_86 : vector<1024x5xf32>
    %exp23A = math.exp2 %min3A_87 : vector<1024x5xf32>
    %add3A_88 = arith.constant 1.000000e+00 : f32
    %add3A_89 = vector.broadcast %add3A_88 : f32 to vector<1024x5xf32>
    %add3A_90 = arith.addf %add3A_89, %exp23A : vector<1024x5xf32>
    %div3A = arith.divf %select_n3A_48, %add3A_90 : vector<1024x5xf32>
    %log3A = math.log %div3A : vector<1024x5xf32>
    %log3A_91 = arith.constant 2.000000e+00 : f32
    %log3A_92 = math.log %log3A_91 : f32
    %div3A_93 = vector.broadcast %log3A_92 : f32 to vector<1024x5xf32>
    %div3A_94 = arith.divf %log3A, %div3A_93 : vector<1024x5xf32>
    %mul3A_95 = arith.constant -0.693147182 : f32
    %mul3A_96 = vector.broadcast %mul3A_95 : f32 to vector<1024x5xf32>
    %mul3A_97 = arith.mulf %div3A_94, %mul3A_96 : vector<1024x5xf32>
    %min3A_98 = arith.constant 1.000000e+02 : f32
    %min3A_99 = vector.broadcast %min3A_98 : f32 to vector<1024x5xf32>
    %min3A_100 = arith.minimumf %mul3A_97, %min3A_99 : vector<1024x5xf32>
    %sub3A = arith.constant 1.000000e+00 : f32
    %sub3A_101 = vector.broadcast %sub3A : f32 to vector<1024x5xf32>
    %sub3A_102 = arith.subf %sub3A_101, %div3A : vector<1024x5xf32>
    %log3A_103 = math.log %sub3A_102 : vector<1024x5xf32>
    %log3A_104 = arith.constant 2.000000e+00 : f32
    %log3A_105 = math.log %log3A_104 : f32
    %div3A_106 = vector.broadcast %log3A_105 : f32 to vector<1024x5xf32>
    %div3A_107 = arith.divf %log3A_103, %div3A_106 : vector<1024x5xf32>
    %mul3A_108 = arith.constant -0.693147182 : f32
    %mul3A_109 = vector.broadcast %mul3A_108 : f32 to vector<1024x5xf32>
    %mul3A_110 = arith.mulf %div3A_107, %mul3A_109 : vector<1024x5xf32>
    %min3A_111 = arith.constant 1.000000e+02 : f32
    %min3A_112 = vector.broadcast %min3A_111 : f32 to vector<1024x5xf32>
    %min3A_113 = arith.minimumf %mul3A_110, %min3A_112 : vector<1024x5xf32>
    %sub3A_114 = arith.subf %min3A_100, %min3A_113 : vector<1024x5xf32>
    %jit3A = arith.constant 0.000000e+00 : f32
    %broadcast_in_dim3A_115 = vector.broadcast %jit3A : f32 to vector<1024x5xf32>
    %select_n3A_116 = arith.select %ge3A_3, %sub3A_114, %broadcast_in_dim3A_115 : vector<1024x5xi1>, vector<1024x5xf32>
    %reduce_sum3A_117 = arith.constant dense<0.000000e+00> : vector<1024xf32>
    %reduce_sum3A_118 = vector.multi_reduction <add>, %select_n3A_116, %reduce_sum3A_117 [1] : vector<1024x5xf32> to vector<1024xf32>
    %broadcast_in_dim3A_119 = vector.shape_cast %reduce_sum3A_118 : vector<1024xf32> to vector<1024x1xf32>
    %add3A_120 = arith.addf %add3A_35, %broadcast_in_dim3A_119 : vector<1024x1xf32>
    %get3A_121 = arith.constant 0 : index
    %get3A_122 = arith.constant 0 : index
    %get3A_123 = vector.load %arg0[%get3A_121, %get3A_122] : memref<1024x128xf32, #tpu.memory_space<vmem>>, vector<1024x1xf32>
    %add3A_124 = arith.addf %get3A_123, %add3A_120 : vector<1024x1xf32>
    %get3A_125 = arith.constant 0 : index
    %get3A_126 = arith.constant 1 : index
    %get3A_127 = vector.load %arg0[%get3A_125, %get3A_126] : memref<1024x128xf32, #tpu.memory_space<vmem>>, vector<1024x1xf32>
    %div3A_128 = arith.divf %add3A_124, %get3A_127 : vector<1024x1xf32>
    %reduce_sum3A_129 = vector.shape_cast %div3A_128 : vector<1024x1xf32> to vector<1x1024x1xf32>
    %reduce_sum3A_130 = arith.constant dense<0.000000e+00> : vector<1xf32>
    %reduce_sum3A_131 = vector.multi_reduction <add>, %reduce_sum3A_129, %reduce_sum3A_130 [1, 2] : vector<1x1024x1xf32> to vector<1xf32>
    %reduce_sum3A_132 = vector.shape_cast %reduce_sum3A_131 : vector<1xf32> to vector<1x1x1xf32>
    %reduce_sum3A_133 = vector.extract %reduce_sum3A_132[0, 0, 0] : f32 from vector<1x1x1xf32>
    %div3A_134 = arith.constant 1.024000e+03 : f32
    %div3A_135 = arith.divf %reduce_sum3A_133, %div3A_134 : f32
    %broadcast_in_dim3A_136 = vector.broadcast %div3A_135 : f32 to vector<8x128xf32>
    %swap3A = arith.constant 0 : index
    %swap3A_137 = arith.constant 0 : index
    %swap3A_138 = vector.load %arg8[%swap3A, %swap3A_137] : memref<8x128xf32, #tpu.memory_space<vmem>>, vector<8x128xf32>
    tpu.vector_store %arg8[%swap3A, %swap3A_137], %broadcast_in_dim3A_136 {strides = array<i32>} : memref<8x128xf32, #tpu.memory_space<vmem>>, vector<8x128xf32>,
    return
  }
}

</mosaic_0001>

<sc_bundles>
// kernel: kernel.6.cloned.1.call-start
scs
__scs_entry_jumppad:
0x0: {  	(pc) =	sbr.rel $0x88, $3  }
0x1: {  	(tag) =	ssettag $0x0;
	lr =	simm.s32 $0x1  }
0x2: {  	[smem:$0x3F92] =	sst lr;
	_ =	strace $0xD0000000  }
0x3: {  	_ = 	snop  }
0x4: {  	_ = 	snop  }
0x5: {  	_ = 	snop  }
0x6: {  	_ = 	snop  }
0x7: {  	_ = 	snop  }
__scs_overlays_trampoline_lowered:
0x8: {  	[smem:$0x3FA1] =	sst s0  }
0x9: {  	[smem:$0x3FA2] =	sst s1  }
0xa: {  	[smem:$0x3FA3] =	sst s2  }
0xb: {  	[smem:$0x3FA4] =	sst s3  }
0xc: {  	[smem:$0x3FA5] =	sst s4  }
0xd: {  	[smem:$0x3FA6] =	sst s5  }
0xe: {  	[smem:$0x3FA7] =	sst s6  }
0xf: {  	[smem:$0x3FA8] =	sst s7  }
0x10: {  	[smem:$0x3FA9] =	sst s8  }
0x11: {  	[smem:$0x3FAA] =	sst s9;
	s0 =	simm.s32 @!p0 $0x0  }
0x12: {  	s1 =	sld [smem:$0x3F90];
	s0 =	simm.s32 @p0 $0x1  }
0x13: {  	[smem:$0x3FAB] =	sst s0;
	s0 =	simm.s32 @!p1 $0x0  }
0x14: {  	s2 =	sld [smem:$0x3F8F];
	s0 =	simm.s32 @p1 $0x1  }
0x15: {  	[smem:$0x3FAC] =	sst s0;
	s0 =	simm.s32 @!p2 $0x0  }
0x16: {  	s3 =	sld [smem:$0x3FDB];
	s0 =	simm.s32 @p2 $0x1  }
0x17: {  	s4 =	simm.s32 $0x1BF5;
	[smem:$0x3FAE] =	sst s0  }
0x18: {  	s0 =	sld [smem:$0x3F91];
	_ =	swait.ge [sflag:s4], $0x0  }
0x19: {  	s7 =	sld [smem:$0x3F92]  }
0x1a: {  	s8 =	sadd.s32 $0xFFFFE003, lr  }
0x1b: {  	s9 =	sadd.s32 $0xFFFFFEF7, lr;
	s5 =	simm.s32 $0xFFFFFFFF;
	p2 =	slt.u32 s8, $0xFFFFF086  }
0x1c: {  	p1 =	slt.u32 s9, $0xF7A;
	s5 =	simm.s32 @!p2 $0x0  }
0x1d: {  	s5 =	simm.s32 @p1 $0x1;
	p0 =	seq.s32 s7, s2  }
0x1e: {  	s7 =	smul.u32 @!p0 $0xF7A, s2;
	p2 =	seq.s32 @!p0 s5, $0x0  }
0x1f: {  	s9 =	smul.u32 $0xF7A, s1;
	s8 =	simm.s32 @!p0 $0x1BF5;
	p2 =	por !p2, p0  }
0x20: {  	[sflag:s8] =	ssyncset.s32 @!p0 $0xFFFFF086;
	s6 =	sadd.s32 @!p0 s3, s7;
	s7 =	simm.s32 @!p0 $0x108  }
0x21: {  	s3 =	sadd.s32 s3, s9;
	s6 =	sadd.s32 @!p0 $0x88, s6;
	s7 =	simm.s32 @p2 $0x1082  }
0x22: {  	[simem:s7], [sflag:s8] =	dma.local @!p0 [hbm:s6], $0xF7A  }
0x23: {  	s9 =	sor.u32 $0xD0000000, s2;
	s6 =	simm.s32 $0x108;
	_ =	swait.ge @!p0 [sflag:s8], $0x0  }
0x24: {  	s3 =	sadd.s32 $0x88, s3;
	s6 =	simm.s32 @!p1 $0x1082;
	[sflag:s4] =	ssyncset.s32 $0xFFFFF086  }
0x25: {  	[simem:s6], [sflag:s4] =	dma.local [hbm:s3], $0xF7A  }
0x26: {  	[smem:$0x3F92] =	sst s1;
	(tag) =	ssettag s2;
	_ =	strace s9  }
0x27: {  	s1 =	sld [smem:$0x3FA2]  }
0x28: {  	s2 =	sld [smem:$0x3FA3]  }
0x29: {  	s4 =	sld [smem:$0x3FA5]  }
0x2a: {  	p0 =	seq.s32 s5, $0x0;
	s5 =	sld [smem:$0x3FA6]  }
0x2b: {  	s6 =	sld [smem:$0x3FA7]  }
0x2c: {  	s7 =	sld [smem:$0x3FA8]  }
0x2d: {  	s3 =	simm.s32 $0x108;
	s8 =	sld [smem:$0x3FA9]  }
0x2e: {  	s3 =	simm.s32 @!p0 $0x1082;
	s9 =	sld [smem:$0x3FAA]  }
0x2f: {  	lr =	sadd.s32 s0, s3;
	s0 =	sld [smem:$0x3FA1]  }
0x30: {  	s3 =	sld [smem:$0x3FA4]  }
0x31: {  	[smem:$0x3FAD] =	sst s10  }
0x32: {  	s10 =	sld [smem:$0x3FAB];
	_ =	sdelay $0x3  }
0x33: {  	p0 =	seq.s32 s10, $0x1;
	s10 =	sld [smem:$0x3FAD];
	_ =	sdelay $0x3  }
0x34: {  	[smem:$0x3FAD] =	sst s10  }
0x35: {  	s10 =	sld [smem:$0x3FAC];
	_ =	sdelay $0x3  }
0x36: {  	p1 =	seq.s32 s10, $0x1;
	s10 =	sld [smem:$0x3FAD];
	_ =	sdelay $0x3  }
0x37: {  	[smem:$0x3FAD] =	sst s10  }
0x38: {  	s10 =	sld [smem:$0x3FAE]  }
0x39: {  	_ = 	snop;
	(pc) =	sbr.ind lr, $3  }
0x3a: {  	_ = 	snop  }
0x3b: {  	_ = 	snop  }
0x3c: {  	p2 =	seq.s32 s10, $0x1;
	s10 =	sld [smem:$0x3FAD]  }
0x3d: {  	_ =	shalt  }
0x3e: {  	_ =	shalt  }
0x3f: {  	_ =	shalt  }
0x40: {  	_ =	shalt  }
0x41: {  	_ =	shalt  }
0x42: {  	_ =	shalt  }
0x43: {  	_ =	shalt  }
0x44: {  	_ =	shalt  }
0x45: {  	_ =	shalt  }
0x46: {  	_ =	shalt  }
0x47: {  	_ =	shalt  }
0x48: {  	_ =	shalt  }
0x49: {  	_ =	shalt  }
0x4a: {  	_ =	shalt  }
0x4b: {  	_ =	shalt  }
0x4c: {  	_ =	shalt  }
0x4d: {  	_ =	shalt  }
0x4e: {  	_ =	shalt  }
0x4f: {  	_ =	shalt  }
0x50: {  	_ =	shalt  }
0x51: {  	_ =	shalt  }
0x52: {  	_ =	shalt  }
0x53: {  	_ =	shalt  }
0x54: {  	_ =	shalt  }
0x55: {  	_ =	shalt  }
0x56: {  	_ =	shalt  }
0x57: {  	_ =	shalt  }
0x58: {  	_ =	shalt  }
0x59: {  	_ =	shalt  }
0x5a: {  	_ =	shalt  }
0x5b: {  	_ =	shalt  }
0x5c: {  	_ =	shalt  }
0x5d: {  	_ =	shalt  }
0x5e: {  	_ =	shalt  }
0x5f: {  	_ =	shalt  }
0x60: {  	_ =	shalt  }
0x61: {  	_ =	shalt  }
0x62: {  	_ =	shalt  }
0x63: {  	_ =	shalt  }
0x64: {  	_ =	shalt  }
0x65: {  	_ =	shalt  }
0x66: {  	_ =	shalt  }
0x67: {  	_ =	shalt  }
0x68: {  	_ =	shalt  }
0x69: {  	_ =	shalt  }
0x6a: {  	_ =	shalt  }
0x6b: {  	_ =	shalt  }
0x6c: {  	_ =	shalt  }
0x6d: {  	_ =	shalt  }
0x6e: {  	_ =	shalt  }
0x6f: {  	_ =	shalt  }
0x70: {  	_ =	shalt  }
0x71: {  	_ =	shalt  }
0x72: {  	_ =	shalt  }
0x73: {  	_ =	shalt  }
0x74: {  	_ =	shalt  }
0x75: {  	_ =	shalt  }
0x76: {  	_ =	shalt  }
0x77: {  	_ =	shalt  }
0x78: {  	_ =	shalt  }
0x79: {  	_ =	shalt  }
0x7a: {  	_ =	shalt  }
0x7b: {  	_ =	shalt  }
0x7c: {  	_ =	shalt  }
0x7d: {  	_ =	shalt  }
0x7e: {  	_ =	shalt  }
0x7f: {  	_ =	shalt  }
0x80: {  	_ =	shalt  }
0x81: {  	_ =	shalt  }
0x82: {  	_ =	shalt  }
0x83: {  	_ =	shalt  }
0x84: {  	_ =	shalt  }
0x85: {  	_ =	shalt  }
0x86: {  	_ =	shalt  }
0x87: {  	_ =	shalt  }
.Lfunc_end0:
.L_simem_size_0:
called_computation_lowered:
.L_overlay_start_0:
0x88: {  	s2 =	sld [smem:$0x3FD9]  }
0x89: {  	s3 =	sld [smem:$0x3FFE];
	_ =	sdelay $0x1  }
0x8a: {  	s1 =	srdreg.scid  }
0x8b: {  	s0 =	sand.u32 $0x1, s1  }
0x8c: {  	s16 =	sshll.u32 s0, $0xA;
	s2 =	sadd.s32 s3, s2  }
0x8d: {  	s2 =	sadd.s32 s2, s16  }
0x8e: {  	[smem:$0x3FB9] =	sst s2  }
0x8f: {  	_ = 	snop  }
0x90: {  	(tm) =	ssettm $0x1  }
0x91: {  	s17 =	sld [smem:$0x3FFB];
	_ =	sdelay $0x3  }
0x92: {  	_ =	strace s17  }
0x93: {  	s2 =	sld [smem:$0x3FFC];
	_ =	sdelay $0x3  }
0x94: {  	_ =	strace s2  }
0x95: {  	s2 =	sld [smem:$0x3FFD];
	_ =	sdelay $0x3  }
0x96: {  	_ =	strace s2  }
0x97: {  	_ =	strace $0x8FFFFFFF  }
0x98: {  	s18 =	sld [smem:$0x3FDB];
	_ =	sdelay $0x1  }
0x99: {  	s19 =	simm.s32 $_scs_section_size  }
0x9a: {  	s4 =	simm.s32 $_size__tile_overlayer_lowered;
	s5 =	simm.s32 $_tile_overlayer_lowered  }
0x9b: {  	s22 =	simm.s32 $0x1BFF;
	s21 =	sshll.u32 s5, $0x1;
	s2 =	sadd.s32 s19, s18  }
0x9c: {  	s6 =	simm.s32 $0x0;
	s20 =	sshll.u32 s4, $0x1;
	s4 =	sadd.s32 s21, s2  }
0x9d: {  	[timem:s6], [sflag:s22] =	dma.local [hbm:s4], s20  }
0x9e: {  	_ =	swait.ge [sflag:s22], s20  }
0x9f: {  	s3 =	ssub.s32 $0x0, s20;
	[sflag:s22] =	ssyncset.done $0x0  }
0xa0: {  	[sflag:s22] =	ssyncadd.s32 s3;
	_ =	sdelay $0x1  }
0xa1: {  	s23 =	simm.s32 $0x1B8B  }
0xa2: {  	_ =	swait.ge [sflag:s23], $0x1  }
0xa3: {  	[sflag:s23] =	ssyncset.done $0x0  }
0xa4: {  	s25 =	simm.s32 $0x1B8E;
	s24 =	sld [smem:$0x3FFE];
	[sflag:s23] =	ssyncadd.s32 $0xFFFFFFFF  }
0xa5: {  	s26 =	simm.s32 $execute0_lowered;
	[smem:$0x3FD2] =	sst s25  }
0xa6: {  	s4 =	sshll.u32 s26, $0x1;
	_ =	strace $0x80000046;
	[dreg:$0x1] =	wrdreg $0xFFFFFFFF  }
0xa7: {  	s28 =	simm.s32 $_size_execute0_lowered;
	s2 =	sadd.s32 s2, s4;
	[dreg:$0x0] =	wrdreg $0x0  }
0xa8: {  	s4 =	sshll.u32 s28, $0x1;
	[dreg:$0x2] =	wrdreg s2  }
0xa9: {  	[dreg:$0x3] =	wrdreg s4  }
0xaa: {  	[dreg:$0x4] =	wrdreg $0xC0  }
0xab: {  	_ =	task [dreg:s6], $0x5FFFF  }
0xac: {  	[dreg:$0x1] =	wrdreg $0xFFFFFFFF  }
0xad: {  	[dreg:$0x0] =	wrdreg $0x60  }
0xae: {  	[dreg:$0x2] =	wrdreg s24  }
0xaf: {  	[dreg:$0x3] =	wrdreg $0x9  }
0xb0: {  	_ =	task.clear_ibuf [dreg:s6], $0x4FFFF;
	_ =	strace $0x90000046  }
0xb1: {  	s29 =	simm.s32 $0x9;
	_ =	strace $0x80000048  }
0xb2: {  	_ =	swait.ge [sflag:s29], $0x1  }
0xb3: {  	[sflag:s29] =	ssyncadd.s32 $0xFFFFFFFF  }
0xb4: {  	_ =	strace $0x90000048  }
0xb5: {  	_ =	sfence  }
0xb6: {  	s30 =	sld [smem:$0x0];
	_ =	sdelay $0x2  }
0xb7: {  	s31 =	sshll.u32 s1, $0xD;
	s1 =	sshrl.u32 s1, $0x2  }
0xb8: {  	s3 =	sand.u32 $0x4000, s31;
	s1 =	sadd.s32 s1, s30  }
0xb9: {  	s0 =	sor.u32 s3, s0;
	s1 =	sshll.u32 s1, $0x11  }
0xba: {  	s0 =	sor.u32 s1, s0  }
0xbb: {  	s0 =	sadd.s32 $0x8F2B, s0  }
0xbc: {  	[sflag:s0] =	ssyncadd.remote.s32 $0x1  }
0xbd: {  	_ =	sfence.sel $0xFFFF  }
0xbe: {  	[dreg:$0x0] =	wrdreg $0xFFFFFFFF;
	(pc) =	sbr.abs _section_cstart, $3  }
0xbf: {  	[dreg:$0x1] =	wrdreg $0xFFFFFFFF  }
0xc0: {  	_ =	task.clear_ibuf [dreg:s6], $0x2FFFF;
	_ =	strace $0x9FFFFFFF  }
0xc1: {  	(tm) =	ssettm $0x7FFFFFFF  }
tec
execute0_lowered:
.L_overlay_start_1:
0x0: {  	(tag) =	ssettag $0x1  }
0x1: {  	s1 =	srdreg.scid  }
0x2: {  	s0 =	stileid.u32;
	s11 =	sand.u32 $0x1, s1  }
0x3: {  	s12 =	rddreg [dreg:$0x0];
	s3 =	sshll.u32 s0, $0x9;
	s4 =	sshll.u32 s11, $0x8  }
0x4: {  	s2 =	simm.s32 $0x0;
	s1 =	rddreg [dreg:$0x1];
	s13 =	sor.u32 s4, s3  }
0x5: {  	[smem:$0x7FF] =	sst s2;
	s5 =	sadd.s32 $0x400, s12;
	s3 =	sshrl.u32 s13, $0x3  }
0x6: {  	_ =	strace $0x80000047;
	s4 =	sadd.s32 s5, s3;
	s3 =	simm.s32 $0x2  }
0x7: {  	[tilespmem:s2], [sflag:$0x2] =	stream.linear.gather [hbm4b:s4+s2], $0x80, $0x38;
	[tilespmem:$0x8100] =	vst v63  }
0x8: {  	s14 =	sor.u32 $0x80, s13;
	_ =	swait.ge [sflag:s3], $0x80  }
0x9: {  	s6 =	sshrl.u32 s14, $0x3;
	[sflag:s3] =	ssyncset.done $0x0  }
0xa: {  	s5 =	sadd.s32 s5, s6;
	s6 =	simm.s32 $0x80;
	[sflag:s3] =	ssyncadd.s32 $0xFFFFFF80  }
0xb: {  	[tilespmem:s6], [sflag:$0x2] =	stream.linear.gather [hbm4b:s5+s2], $0x80, $0x38;
	[tilespmem:$0x8100] =	vst v63  }
0xc: {  	_ =	swait.ge [sflag:s3], $0x80  }
0xd: {  	[sflag:s3] =	ssyncset.done $0x0  }
0xe: {  	s8 =	simm.s32 $0x100;
	s7 =	sadd.s32 $0x160200, s12;
	[sflag:s3] =	ssyncadd.s32 $0xFFFFFF80  }
0xf: {  	[tilespmem:s8], [sflag:$0x1] =	stream.indirect.gather [hbm4b:s7+s6], $0x80, s2, s6, $0xb8;
	[tilespmem:$0x8100] =	vst v63  }
0x10: {  	s9 =	simm.s32 $0x4100;
	s10 =	simm.s32 $0x1  }
0x11: {  	[tilespmem:s9], [sflag:$0x1] =	stream.indirect.gather [hbm4b:s7+s6], $0x80, s6, s6, $0xb8;
	[tilespmem:$0x8100] =	vst v63  }
0x12: {  	_ =	swait.ge [sflag:s10], $0x4000  }
0x13: {  	[sflag:s10] =	ssyncset.done $0x0  }
0x14: {  	s12 =	sadd.s32 $0x2E2E00, s12;
	s15 =	ssub.s32 $0x2, s11;
	[sflag:s10] =	ssyncadd.s32 $0xFFFFC000  }
0x15: {  	s31 =	sshrl.u32 s15, $0x1;
	s13 =	sshll.u32 s13, $0x4;
	_ =	swait.ge [sflag:s10], $0x4000  }
0x16: {  	s11 =	sadd.s32 s12, s13;
	s13 =	ssub.s32 s15, s31;
	[sflag:s10] =	ssyncset.done $0x0  }
0x17: {  	s13 =	smax.u32 s13, $0x1;
	[sflag:s10] =	ssyncadd.s32 $0xFFFFC000  }
0x18: {  	[hbm4b:s11+s2] =	stream.linear.scatter [tilespmem:s8], [sflag:$0x2], $0x4000, $0x38;
	[tilespmem:$0x8100] =	vst v63  }
0x19: {  	p0 =	sne.s32 s13, $0x1;
	_ =	swait.ge [sflag:s3], $0x4000  }
.Ltmp0:
0x1a: {  	s14 =	sshll.u32 s14, $0x4;
	[sflag:s3] =	ssyncset.done $0x0;
	(pc) =	sbr.rel @!p0 .LBB2_2-.Ltmp0, $4  }
0x1b: {  	s12 =	sadd.s32 s12, s14;
	[sflag:s3] =	ssyncadd.s32 $0xFFFFC000  }
0x1c: {  	[hbm4b:s12+s2] =	stream.linear.scatter [tilespmem:s9], [sflag:$0x2], $0x4000, $0x38;
	[tilespmem:$0x8100] =	vst v63  }
0x1d: {  	_ =	swait.ge [sflag:s3], $0x4000  }
0x1e: {  	s13 =	sadd.s32 $0xFFFFFFFF, s13;
	[sflag:s3] =	ssyncset.done $0x0  }
.LBB2_1:
0x1f: {  	p0 =	sne.s32 s13, $0x1;
	s13 =	sadd.s32 $0xFFFFFFFF, s13;
	[sflag:s3] =	ssyncadd.s32 $0xFFFFC000  }
0x20: {  	[tilespmem:s2], [sflag:$0x2] =	stream.linear.gather [hbm4b:s4+s2], $0x80, $0x38;
	[tilespmem:$0x8100] =	vst v63  }
0x21: {  	_ =	swait.ge [sflag:s3], $0x80  }
0x22: {  	[sflag:s3] =	ssyncset.done $0x0  }
0x23: {  	[sflag:s3] =	ssyncadd.s32 $0xFFFFFF80  }
0x24: {  	[tilespmem:s6], [sflag:$0x2] =	stream.linear.gather [hbm4b:s5+s2], $0x80, $0x38;
	[tilespmem:$0x8100] =	vst v63  }
0x25: {  	_ =	swait.ge [sflag:s3], $0x80  }
0x26: {  	[sflag:s3] =	ssyncset.done $0x0  }
0x27: {  	[sflag:s3] =	ssyncadd.s32 $0xFFFFFF80  }
0x28: {  	[tilespmem:s8], [sflag:$0x1] =	stream.indirect.gather [hbm4b:s7+s6], $0x80, s2, s6, $0xb8;
	[tilespmem:$0x8100] =	vst v63  }
0x29: {  	_ = 	snop  }
0x2a: {  	[tilespmem:s9], [sflag:$0x1] =	stream.indirect.gather [hbm4b:s7+s6], $0x80, s6, s6, $0xb8;
	[tilespmem:$0x8100] =	vst v63  }
0x2b: {  	_ =	swait.ge [sflag:s10], $0x4000  }
0x2c: {  	[sflag:s10] =	ssyncset.done $0x0  }
0x2d: {  	[sflag:s10] =	ssyncadd.s32 $0xFFFFC000  }
0x2e: {  	_ =	swait.ge [sflag:s10], $0x4000  }
0x2f: {  	[sflag:s10] =	ssyncset.done $0x0  }
0x30: {  	[sflag:s10] =	ssyncadd.s32 $0xFFFFC000  }
0x31: {  	[hbm4b:s11+s2] =	stream.linear.scatter [tilespmem:s8], [sflag:$0x2], $0x4000, $0x38;
	[tilespmem:$0x8100] =	vst v63  }
0x32: {  	_ =	swait.ge [sflag:s3], $0x4000  }
.Ltmp1:
0x33: {  	[sflag:s3] =	ssyncset.done $0x0;
	(pc) =	sbr.rel @p0 .LBB2_1-.Ltmp1, $4  }
0x34: {  	[sflag:s3] =	ssyncadd.s32 $0xFFFFC000  }
0x35: {  	[hbm4b:s12+s2] =	stream.linear.scatter [tilespmem:s9], [sflag:$0x2], $0x4000, $0x38;
	[tilespmem:$0x8100] =	vst v63  }
0x36: {  	_ =	swait.ge [sflag:s3], $0x4000  }
0x37: {  	[sflag:s3] =	ssyncset.done $0x0  }
.LBB2_2:
0x38: {  	[sflag:s3] =	ssyncadd.s32 $0xFFFFC000  }
0x39: {  	_ =	sfence.sel $0x180000  }
0x3a: {  	[bflag:$0x0] =	sbarrier.arrive $0xFFFF  }
0x3b: {  	p0 =	sne.s32 s0, $0x0;
	_ =	strace $0x90000047  }
0x3c: {  	s0 =	sadd.s32 @!p0 $0x100000, s1;
	[bflag:$0x2] =	sbarrier.arrive $0xFFFF  }
0x3d: {  	[sflag:s0] =	ssyncadd.tile.s32 @!p0 $0x1;
	_ =	shalt  }
.Lfunc_end2:
_tile_overlayer_lowered:
.L_overlay_start_2:
0x3e: {  	(tag) =	ssettag $0x2  }
0x3f: {  	s0 =	rddreg [dreg:$0x0];
	s2 =	stileid.u32  }
0x40: {  	s1 =	rddreg [dreg:$0x1];
	p0 =	sne.s32 s2, $0x0  }
0x41: {  	s3 =	rddreg [dreg:$0x2];
	[bflag:$0x3] =	sbarrier.arrive $0xFFFF;
	s2 =	simm.s32 @!p0 $0x1C02  }
0x42: {  	[timem:s3], [sflag:s2] =	dma.local @!p0 [hbm:s0], s1  }
0x43: {  	s0 =	simm.s32 @!p0 $0x2  }
0x44: {  	_ =	swait.ge @!p0 [sflag:s0], s1  }
0x45: {  	s1 =	ssub.s32 @!p0 $0x0, s1;
	[sflag:s0] =	ssyncset.done @!p0 $0x0  }
0x46: {  	[sflag:s0] =	ssyncadd.s32 @!p0 s1  }
0x47: {  	[bflag:$0x3] =	sbarrier.arrive $0xFFFF  }
0x48: {  	_ =	shalt  }

</sc_bundles>
